<compile_context>
chip_gen: v7x
topology: tpu7x:2x2x1
jax: 0.10.2.dev20260603
libtpu: 0.0.44.dev20260713+nightly
codegen_flags: <defaults>
</compile_context>

<pallas_src>
import functools

import jax
import jax.numpy as jnp
from jax import lax
from jax.experimental import pallas as pl
from jax.experimental.pallas import tpu as pltpu
from jax.experimental.pallas import tpu_sc as plsc

B = 8
N = 2048
L = 16
NC = 2
NS = 16
NM = 4
SL = N // NM


def _fps_gather_sc(pts_planar):
    mesh = plsc.VectorSubcoreMesh(
        core_axis_name="c", subcore_axis_name="s", num_cores=NC, num_subcores=NS
    )

    @functools.partial(
        pl.kernel,
        out_type=jax.ShapeDtypeStruct((B * 3 * N,), jnp.float32),
        mesh=mesh,
        compiler_params=pltpu.CompilerParams(needs_layout_passes=False),
        scratch_types=[
            pltpu.VMEM((N,), jnp.float32),
            pltpu.VMEM((N,), jnp.float32),
            pltpu.VMEM((N,), jnp.float32),
            pltpu.VMEM((SL,), jnp.float32),
            pltpu.VMEM((N,), jnp.int32),
            pltpu.VMEM((3 * SL,), jnp.float32),
            pltpu.VMEM((2 * L,), jnp.float32),
            pltpu.VMEM((NM * 2 * L,), jnp.float32),
            pltpu.VMEM_SHARED((2 * 4 * NM * 2 * L,), jnp.float32),
        ],
    )
    def k(pts_hbm, out_hbm, xr, yr, zr, dr, ir, gr, stg, rb, shr):
        cid = lax.axis_index("c")
        sid = lax.axis_index("s")
        g = sid // NM
        m = sid % NM
        b = cid * 4 + g
        mbase = m * SL

        base = b * 3 * N
        pltpu.sync_copy(pts_hbm.at[pl.ds(base, N)], xr)
        pltpu.sync_copy(pts_hbm.at[pl.ds(base + N, N)], yr)
        pltpu.sync_copy(pts_hbm.at[pl.ds(base + 2 * N, N)], zr)

        lanes = lax.iota(jnp.int32, L)
        big = jnp.full((L,), 1e10, dtype=jnp.float32)

        @plsc.parallel_loop(0, SL, step=L, unroll=8)
        def _init(o):
            dr[pl.ds(o, L)] = big

        ir[pl.ds(0, L)] = jnp.zeros((L,), jnp.int32)

        lane0 = (lanes == 0).astype(jnp.float32)
        px0 = jnp.full((L,), jnp.sum(xr[pl.ds(0, L)] * lane0))
        py0 = jnp.full((L,), jnp.sum(yr[pl.ds(0, L)] * lane0))
        pz0 = jnp.full((L,), jnp.sum(zr[pl.ds(0, L)] * lane0))

        def fps_body(i, carry):
            px, py, pz = carry

            rm0 = jnp.full((L,), -1.0, dtype=jnp.float32)
            ri0 = jnp.zeros((L,), jnp.int32)

            @plsc.parallel_loop(0, SL, step=L, unroll=8, carry=(rm0, ri0))
            def chunk_loop(o, rc):
                rm, ri = rc
                dx = xr[pl.ds(mbase + o, L)] - px
                dz = zr[pl.ds(mbase + o, L)] - pz
                d = dx * dx + dz * dz
                dy = yr[pl.ds(mbase + o, L)] - py
                d = d + dy * dy
                nd = jnp.minimum(dr[pl.ds(o, L)], d)
                dr[pl.ds(o, L)] = nd
                upd = nd > rm
                rm = jnp.where(upd, nd, rm)
                ri = jnp.where(upd, mbase + o + lanes, ri)
                return rm, ri

            rm, ri = chunk_loop
            stg[pl.ds(0, L)] = rm
            stg[pl.ds(L, L)] = plsc.bitcast(ri, jnp.float32)
            par = lax.rem(i, 2)
            slot = ((par * 4 + g) * NM + m) * (2 * L)
            pltpu.sync_copy(stg, shr.at[pl.ds(slot, 2 * L)])
            plsc.subcore_barrier()
            gbase = (par * 4 + g) * (NM * 2 * L)
            pltpu.sync_copy(shr.at[pl.ds(gbase, NM * 2 * L)], rb)

            rms = [rb[pl.ds(kk * 2 * L, L)] for kk in range(NM)]
            ris = [plsc.bitcast(rb[pl.ds(kk * 2 * L + L, L)], jnp.int32)
                   for kk in range(NM)]
            mx = jnp.maximum(jnp.maximum(rms[0], rms[1]),
                             jnp.maximum(rms[2], rms[3]))
            ms = jnp.max(mx)
            bigi = jnp.int32(1 << 30)
            cs = [jnp.where(rms[kk] == ms, ris[kk], bigi) for kk in range(NM)]
            c = jnp.minimum(jnp.minimum(cs[0], cs[1]),
                            jnp.minimum(cs[2], cs[3]))
            nxt = jnp.min(c)
            nxtv = jnp.full((L,), nxt, dtype=jnp.int32)
            plsc.store_scatter(
                ir, [jnp.full((L,), i, dtype=jnp.int32)], nxtv,
                mask=lanes == 0,
            )
            return (
                plsc.load_gather(xr, [nxtv]),
                plsc.load_gather(yr, [nxtv]),
                plsc.load_gather(zr, [nxtv]),
            )

        lax.fori_loop(1, N, fps_body, (px0, py0, pz0))

        @plsc.parallel_loop(0, SL, step=L, unroll=4)
        def _gather(o):
            iv = ir[pl.ds(mbase + o, L)]
            dst = (o + lanes) * 3
            plsc.store_scatter(gr, [dst], plsc.load_gather(xr, [iv]))
            plsc.store_scatter(gr, [dst + 1], plsc.load_gather(yr, [iv]))
            plsc.store_scatter(gr, [dst + 2], plsc.load_gather(zr, [iv]))

        pltpu.sync_copy(gr, out_hbm.at[pl.ds(b * 3 * N + mbase * 3, 3 * SL)])

    return k(pts_planar)


def _mlp_tc(x, W1, b1, W2, b2, W3, b3, W4, b4):
    M = B * N
    BLK = 2048

    def body(xr, w1r, b1r, w2r, b2r, w3r, b3r, w4r, b4r, outr):
        x_ = xr[...]
        h = jnp.maximum(
            jnp.dot(x_, w1r[...], preferred_element_type=jnp.float32) + b1r[...], 0.0
        )
        h = jnp.maximum(
            jnp.dot(h, w2r[...], preferred_element_type=jnp.float32) + b2r[...], 0.0
        )
        h = jnp.maximum(
            jnp.dot(h, w3r[...], preferred_element_type=jnp.float32) + b3r[...], 0.0
        )
        outr[...] = x_ + jnp.dot(h, w4r[...], preferred_element_type=jnp.float32) + b4r[...]

    full = lambda shape: pl.BlockSpec(shape, lambda i: (0,) * len(shape))
    return pl.pallas_call(
        body,
        grid=(M // BLK,),
        in_specs=[
            pl.BlockSpec((BLK, 3), lambda i: (i, 0)),
            full((3, 128)), full((1, 128)),
            full((128, 256)), full((1, 256)),
            full((256, 128)), full((1, 128)),
            full((128, 3)), full((1, 3)),
        ],
        out_specs=pl.BlockSpec((BLK, 3), lambda i: (i, 0)),
        out_shape=jax.ShapeDtypeStruct((M, 3), jnp.float32),
    )(x, W1, b1.reshape(1, -1), W2, b2.reshape(1, -1),
      W3, b3.reshape(1, -1), W4, b4.reshape(1, -1))


def kernel(pseudo_points, gt_points, W1, b1, W2, b2, W3, b3, W4, b4):
    del gt_points
    pts_planar = jnp.transpose(pseudo_points, (0, 2, 1)).reshape(-1)
    sampled = _fps_gather_sc(pts_planar).reshape(B * N, 3)
    refined = _mlp_tc(sampled, W1, b1, W2, b2, W3, b3, W4, b4)
    return refined.reshape(B, N, 3)

# --- scband reference (transcript-rebuilt; emitter-appended) ---
"""Pipeline reference for scband-point-cloud-refinement-4097398800465 (READ-ONLY COPY).

The authoritative reference and input builder live on the scoring server;
editing this copy changes nothing except your own understanding.
"""

import jax, jax.numpy as jnp
import numpy as np


def _fps_indices(points, num_samples):
    # Furthest point sampling (pointnet2 convention): start at index 0,
    # iteratively pick the point with max min-squared-distance to selected set.
    pts = jax.lax.stop_gradient(points)  # FPS indices carry no gradient (matches CUDA op)
    N = pts.shape[0]

    def body(i, state):
        dists, idxs, last = state
        d = jnp.sum((pts - pts[last]) ** 2, axis=1)
        dists = jnp.minimum(dists, d)
        nxt = jnp.argmax(dists).astype(jnp.int32)
        idxs = idxs.at[i].set(nxt)
        return (dists, idxs, nxt)

    dists0 = jnp.full((N,), 1e10, dtype=pts.dtype)
    idxs0 = jnp.zeros((num_samples,), dtype=jnp.int32)
    state = (dists0, idxs0, jnp.int32(0))
    _, idxs, _ = jax.lax.fori_loop(1, num_samples, body, state)
    return idxs


def _pad_point_clouds(pc_batch, target):
    # pc_batch: (B, N, C); all clouds same length N (tensor input path of torch module).
    B, N, C = pc_batch.shape
    if N < target:
        pad = jnp.zeros((B, target - N, C), dtype=pc_batch.dtype)
        return jnp.concatenate([pc_batch, pad], axis=1)
    # N >= target -> torch calls furthest_point_sample and gathers
    idxs = jax.vmap(lambda p: _fps_indices(p, target))(pc_batch)
    return jax.vmap(lambda p, i: p[i])(pc_batch, idxs)


def setup_inputs(seed: int = 0) -> dict:
    key = jax.random.key(seed)
    ks = [jax.random.fold_in(key, i) for i in range(12)]
    pseudo_points = jax.random.normal(ks[0], (8, 2048, 3), dtype=jnp.float32)
    gt_points = jax.random.normal(ks[1], (8, 2048, 3), dtype=jnp.float32)
    # refinement net params: shared per-point MLP 3 -> 128 -> 256 -> 128 -> 3 (residual)
    W1 = jax.random.normal(ks[2], (3, 128), dtype=jnp.float32) * (1.0 / np.sqrt(3))
    b1 = jnp.zeros((128,), dtype=jnp.float32)
    W2 = jax.random.normal(ks[3], (128, 256), dtype=jnp.float32) * (1.0 / np.sqrt(128))
    b2 = jnp.zeros((256,), dtype=jnp.float32)
    W3 = jax.random.normal(ks[4], (256, 128), dtype=jnp.float32) * (1.0 / np.sqrt(256))
    b3 = jnp.zeros((128,), dtype=jnp.float32)
    W4 = jax.random.normal(ks[5], (128, 3), dtype=jnp.float32) * (1.0 / np.sqrt(128))
    b4 = jnp.zeros((3,), dtype=jnp.float32)
    return {"pseudo_points": pseudo_points, "gt_points": gt_points,
            "W1": W1, "b1": b1, "W2": W2, "b2": b2,
            "W3": W3, "b3": b3, "W4": W4, "b4": b4}


def reference(pseudo_points, gt_points, W1, b1, W2, b2, W3, b3, W4, b4):
    # forward(pseudo_points, gt_points, return_loss=False)
    N = pseudo_points.shape[1]
    M = gt_points.shape[1]
    target = max(N, M)
    pseudo_sampled = _pad_point_clouds(pseudo_points, target)
    gt_sampled = _pad_point_clouds(gt_points, target)  # computed as in torch, unused when return_loss=False
    x = pseudo_sampled
    h = jax.nn.relu(x @ W1 + b1)
    h = jax.nn.relu(h @ W2 + b2)
    h = jax.nn.relu(h @ W3 + b3)
    refined_batch = x + (h @ W4 + b4)
    return refined_batch

if __name__ == "__main__":
    import jax
    _d = setup_inputs()
    print(jax.jit(kernel)(*tuple(_d.values())))

</pallas_src>

<mosaic_0001>
#map = affine_map<(d0, d1) -> (0)>
module attributes {stable_mosaic.version = 14 : i64} {
  func.func @k(%arg0: i32, %arg1: i32, %arg2: memref<49152xf32, #tpu.memory_space<hbm>>, %arg3: memref<49152xf32, #tpu.memory_space<hbm>>, %arg4: memref<2048xf32, #tpu.memory_space<vmem>>, %arg5: memref<2048xf32, #tpu.memory_space<vmem>>, %arg6: memref<2048xf32, #tpu.memory_space<vmem>>, %arg7: memref<512xf32, #tpu.memory_space<vmem>>, %arg8: memref<2048xi32, #tpu.memory_space<vmem>>, %arg9: memref<1536xf32, #tpu.memory_space<vmem>>, %arg10: memref<32xf32, #tpu.memory_space<vmem>>, %arg11: memref<128xf32, #tpu.memory_space<vmem>>, %arg12: memref<1024xf32, #tpu.memory_space<vmem_shared>>) attributes {dimension_semantics = [#tpu.dimension_semantics<core_parallel>, #tpu.dimension_semantics<subcore_parallel>], iteration_bounds = array<i64: 2, 16>, scalar_prefetch = 0 : i64, scratch_operands = 9 : i64, tpu.core_type = #tpu.core_type<sc_vector_subcore>, window_params = [{transform_indices = #map}, {transform_indices = #map}]} {
    %jit3A = arith.constant 4 : i32
    %div3A = arith.divsi %arg1, %jit3A : i32
    %sign3A = arith.constant 0 : i32
    %sign3A_0 = arith.cmpi sgt, %arg1, %sign3A : i32
    %sign3A_1 = arith.extui %sign3A_0 : i1 to i32
    %sign3A_2 = arith.constant 0 : i32
    %sign3A_3 = arith.cmpi slt, %arg1, %sign3A_2 : i32
    %sign3A_4 = arith.extui %sign3A_3 : i1 to i32
    %sign3A_5 = arith.subi %sign3A_1, %sign3A_4 : i32
    %sign3A_6 = arith.constant 0 : i32
    %sign3A_7 = arith.cmpi sgt, %jit3A, %sign3A_6 : i32
    %sign3A_8 = arith.extui %sign3A_7 : i1 to i32
    %sign3A_9 = arith.constant 0 : i32
    %sign3A_10 = arith.cmpi slt, %jit3A, %sign3A_9 : i32
    %sign3A_11 = arith.extui %sign3A_10 : i1 to i32
    %sign3A_12 = arith.subi %sign3A_8, %sign3A_11 : i32
    %ne3A = arith.cmpi ne, %sign3A_5, %sign3A_12 : i32
    %rem3A = arith.remsi %arg1, %jit3A : i32
    %ne3A_13 = arith.constant 0 : i32
    %ne3A_14 = arith.cmpi ne, %rem3A, %ne3A_13 : i32
    %and3A = arith.andi %ne3A, %ne3A_14 : i1
    %sub3A = arith.constant 1 : i32
    %sub3A_15 = arith.subi %div3A, %sub3A : i32
    %select_n3A = arith.select %and3A, %sub3A_15, %div3A : i32
    %jit3A_16 = arith.constant 4 : i32
    %eq3A = arith.constant 0 : i32
    %eq3A_17 = arith.cmpi eq, %jit3A_16, %eq3A : i32
    %jit3A_18 = arith.constant 1 : i32
    %select_n3A_19 = arith.select %eq3A_17, %jit3A_18, %jit3A_16 : i32
    %rem3A_20 = arith.remsi %arg1, %select_n3A_19 : i32
    %ne3A_21 = arith.constant 0 : i32
    %ne3A_22 = arith.cmpi ne, %rem3A_20, %ne3A_21 : i32
    %lt3A = arith.constant 0 : i32
    %lt3A_23 = arith.cmpi slt, %rem3A_20, %lt3A : i32
    %lt3A_24 = arith.constant 0 : i32
    %lt3A_25 = arith.cmpi slt, %select_n3A_19, %lt3A_24 : i32
    %ne3A_26 = arith.xori %lt3A_23, %lt3A_25 : i1
    %and3A_27 = arith.andi %ne3A_26, %ne3A_22 : i1
    %add3A = arith.addi %rem3A_20, %select_n3A_19 : i32
    %select_n3A_28 = arith.select %and3A_27, %add3A, %rem3A_20 : i32
    %mul3A = arith.constant 4 : i32
    %mul3A_29 = arith.muli %arg0, %mul3A : i32
    %add3A_30 = arith.addi %mul3A_29, %select_n3A : i32
    %mul3A_31 = arith.constant 512 : i32
    %mul3A_32 = arith.muli %select_n3A_28, %mul3A_31 : i32
    %mul3A_33 = arith.constant 3 : i32
    %mul3A_34 = arith.muli %add3A_30, %mul3A_33 : i32
    %mul3A_35 = arith.constant 2048 : i32
    %mul3A_36 = arith.muli %mul3A_34, %mul3A_35 : i32
    "tpu.region"() ({
      %run_scoped3A = tpu.sem_alloc : memref<!tpu.dma_semaphore, #tpu.memory_space<semaphore_mem>>
      %dma_start3A = tpu.memref_slice %arg2[%mul3A_36] : memref<49152xf32, #tpu.memory_space<hbm>> -> memref<2048xf32, #tpu.memory_space<hbm>>
      %dma_start3A_88 = tpu.memref_slice %arg2[%mul3A_36] : memref<49152xf32, #tpu.memory_space<hbm>> -> memref<2048xf32, #tpu.memory_space<hbm>>
      tpu.enqueue_dma source(%dma_start3A_88 : memref<2048xf32, #tpu.memory_space<hbm>>) target(%arg4 : memref<2048xf32, #tpu.memory_space<vmem>>) target_semaphore(%run_scoped3A : memref<!tpu.dma_semaphore, #tpu.memory_space<semaphore_mem>>)
      %dma_wait3A = tpu.memref_slice %arg2[%mul3A_36] : memref<49152xf32, #tpu.memory_space<hbm>> -> memref<2048xf32, #tpu.memory_space<hbm>>
      %dma_wait3A_89 = tpu.memref_slice %arg2[%mul3A_36] : memref<49152xf32, #tpu.memory_space<hbm>> -> memref<2048xf32, #tpu.memory_space<hbm>>
      tpu.wait_dma2 semaphore(%run_scoped3A : memref<!tpu.dma_semaphore, #tpu.memory_space<semaphore_mem>>) src(%dma_wait3A_89 : memref<2048xf32, #tpu.memory_space<hbm>>) dst(%arg4 : memref<2048xf32, #tpu.memory_space<vmem>>)
      tpu.yield
    }) : () -> ()
    %add3A_37 = arith.constant 2048 : i32
    %add3A_38 = arith.addi %mul3A_36, %add3A_37 : i32
    "tpu.region"() ({
      %run_scoped3A = tpu.sem_alloc : memref<!tpu.dma_semaphore, #tpu.memory_space<semaphore_mem>>
      %dma_start3A = tpu.memref_slice %arg2[%add3A_38] : memref<49152xf32, #tpu.memory_space<hbm>> -> memref<2048xf32, #tpu.memory_space<hbm>>
      %dma_start3A_88 = tpu.memref_slice %arg2[%add3A_38] : memref<49152xf32, #tpu.memory_space<hbm>> -> memref<2048xf32, #tpu.memory_space<hbm>>
      tpu.enqueue_dma source(%dma_start3A_88 : memref<2048xf32, #tpu.memory_space<hbm>>) target(%arg5 : memref<2048xf32, #tpu.memory_space<vmem>>) target_semaphore(%run_scoped3A : memref<!tpu.dma_semaphore, #tpu.memory_space<semaphore_mem>>)
      %dma_wait3A = tpu.memref_slice %arg2[%add3A_38] : memref<49152xf32, #tpu.memory_space<hbm>> -> memref<2048xf32, #tpu.memory_space<hbm>>
      %dma_wait3A_89 = tpu.memref_slice %arg2[%add3A_38] : memref<49152xf32, #tpu.memory_space<hbm>> -> memref<2048xf32, #tpu.memory_space<hbm>>
      tpu.wait_dma2 semaphore(%run_scoped3A : memref<!tpu.dma_semaphore, #tpu.memory_space<semaphore_mem>>) src(%dma_wait3A_89 : memref<2048xf32, #tpu.memory_space<hbm>>) dst(%arg5 : memref<2048xf32, #tpu.memory_space<vmem>>)
      tpu.yield
    }) : () -> ()
    %add3A_39 = arith.constant 4096 : i32
    %add3A_40 = arith.addi %mul3A_36, %add3A_39 : i32
    "tpu.region"() ({
      %run_scoped3A = tpu.sem_alloc : memref<!tpu.dma_semaphore, #tpu.memory_space<semaphore_mem>>
      %dma_start3A = tpu.memref_slice %arg2[%add3A_40] : memref<49152xf32, #tpu.memory_space<hbm>> -> memref<2048xf32, #tpu.memory_space<hbm>>
      %dma_start3A_88 = tpu.memref_slice %arg2[%add3A_40] : memref<49152xf32, #tpu.memory_space<hbm>> -> memref<2048xf32, #tpu.memory_space<hbm>>
      tpu.enqueue_dma source(%dma_start3A_88 : memref<2048xf32, #tpu.memory_space<hbm>>) target(%arg6 : memref<2048xf32, #tpu.memory_space<vmem>>) target_semaphore(%run_scoped3A : memref<!tpu.dma_semaphore, #tpu.memory_space<semaphore_mem>>)
      %dma_wait3A = tpu.memref_slice %arg2[%add3A_40] : memref<49152xf32, #tpu.memory_space<hbm>> -> memref<2048xf32, #tpu.memory_space<hbm>>
      %dma_wait3A_89 = tpu.memref_slice %arg2[%add3A_40] : memref<49152xf32, #tpu.memory_space<hbm>> -> memref<2048xf32, #tpu.memory_space<hbm>>
      tpu.wait_dma2 semaphore(%run_scoped3A : memref<!tpu.dma_semaphore, #tpu.memory_space<semaphore_mem>>) src(%dma_wait3A_89 : memref<2048xf32, #tpu.memory_space<hbm>>) dst(%arg6 : memref<2048xf32, #tpu.memory_space<vmem>>)
      tpu.yield
    }) : () -> ()
    %iota3A = tpu.iota {dimensions = array<i32: 0>} : vector<16xi32>
    %broadcast_in_dim3A = arith.constant 1.000000e+10 : f32
    %broadcast_in_dim3A_41 = vector.broadcast %broadcast_in_dim3A : f32 to vector<16xf32>
    %parallel_loop3A = arith.constant 0 : i32
    %parallel_loop3A_42 = arith.constant 512 : i32
    %parallel_loop3A_43 = arith.constant 16 : i32
    scf.for %parallel_loop3A_88 = %parallel_loop3A to %parallel_loop3A_42 step %parallel_loop3A_43  : i32 {
      %parallel_loop3A_89 = arith.index_cast %parallel_loop3A_88 : i32 to index
      %parallel_loop3A_90 = tpu.vector_load %arg7[%parallel_loop3A_89] {strides = array<i32>} : memref<512xf32, #tpu.memory_space<vmem>>, vector<16xf32>,
      tpu.vector_store %arg7[%parallel_loop3A_89], %broadcast_in_dim3A_41 {strides = array<i32>} : memref<512xf32, #tpu.memory_space<vmem>>, vector<16xf32>,
    } {sc.loop_unroll_factor = 8 : i64, sc.parallel_access}
    %broadcast_in_dim3A_44 = arith.constant 0 : i32
    %broadcast_in_dim3A_45 = vector.broadcast %broadcast_in_dim3A_44 : i32 to vector<16xi32>
    %swap3A = arith.constant 0 : index
    %swap3A_46 = tpu.vector_load %arg8[%swap3A] {strides = array<i32>} : memref<2048xi32, #tpu.memory_space<vmem>>, vector<16xi32>,
    tpu.vector_store %arg8[%swap3A], %broadcast_in_dim3A_45 {strides = array<i32>} : memref<2048xi32, #tpu.memory_space<vmem>>, vector<16xi32>,
    %eq3A_47 = arith.constant 0 : i32
    %eq3A_48 = vector.broadcast %eq3A_47 : i32 to vector<16xi32>
    %eq3A_49 = arith.cmpi eq, %iota3A, %eq3A_48 : vector<16xi32>
    %convert_element_type3A = arith.extui %eq3A_49 : vector<16xi1> to vector<16xi32>
    %convert_element_type3A_50 = arith.sitofp %convert_element_type3A : vector<16xi32> to vector<16xf32>
    %get3A = arith.constant 0 : index
    %get3A_51 = tpu.vector_load %arg4[%get3A] {strides = array<i32>} : memref<2048xf32, #tpu.memory_space<vmem>>, vector<16xf32>,
    %mul3A_52 = arith.mulf %get3A_51, %convert_element_type3A_50 : vector<16xf32>
    %reduce_sum3A = arith.constant true
    %reduce_sum3A_53 = vector.broadcast %reduce_sum3A : i1 to vector<16xi1>
    %reduce_sum3A_54 = tpu.scan <sum>, %mul3A_52 masked %reduce_sum3A_53 : vector<16xf32>, vector<16xi1> -> vector<16xf32>
    %reduce_sum3A_55 = vector.extract %reduce_sum3A_54[15] : f32 from vector<16xf32>
    %broadcast_in_dim3A_56 = vector.broadcast %reduce_sum3A_55 : f32 to vector<16xf32>
    %get3A_57 = arith.constant 0 : index
    %get3A_58 = tpu.vector_load %arg5[%get3A_57] {strides = array<i32>} : memref<2048xf32, #tpu.memory_space<vmem>>, vector<16xf32>,
    %mul3A_59 = arith.mulf %get3A_58, %convert_element_type3A_50 : vector<16xf32>
    %reduce_sum3A_60 = arith.constant true
    %reduce_sum3A_61 = vector.broadcast %reduce_sum3A_60 : i1 to vector<16xi1>
    %reduce_sum3A_62 = tpu.scan <sum>, %mul3A_59 masked %reduce_sum3A_61 : vector<16xf32>, vector<16xi1> -> vector<16xf32>
    %reduce_sum3A_63 = vector.extract %reduce_sum3A_62[15] : f32 from vector<16xf32>
    %broadcast_in_dim3A_64 = vector.broadcast %reduce_sum3A_63 : f32 to vector<16xf32>
    %get3A_65 = arith.constant 0 : index
    %get3A_66 = tpu.vector_load %arg6[%get3A_65] {strides = array<i32>} : memref<2048xf32, #tpu.memory_space<vmem>>, vector<16xf32>,
    %mul3A_67 = arith.mulf %get3A_66, %convert_element_type3A_50 : vector<16xf32>
    %reduce_sum3A_68 = arith.constant true
    %reduce_sum3A_69 = vector.broadcast %reduce_sum3A_68 : i1 to vector<16xi1>
    %reduce_sum3A_70 = tpu.scan <sum>, %mul3A_67 masked %reduce_sum3A_69 : vector<16xf32>, vector<16xi1> -> vector<16xf32>
    %reduce_sum3A_71 = vector.extract %reduce_sum3A_70[15] : f32 from vector<16xf32>
    %broadcast_in_dim3A_72 = vector.broadcast %reduce_sum3A_71 : f32 to vector<16xf32>
    %scan3A = arith.constant 1 : i32
    %scan3A_73 = arith.constant 2047 : i32
    %scan3A_74 = arith.addi %scan3A, %scan3A_73 : i32
    %scan3A_75 = arith.constant 1 : i32
    %scan3A_76:3 = scf.for %scan3A_88 = %scan3A to %scan3A_74 step %scan3A_75 iter_args(%scan3A_89 = %broadcast_in_dim3A_56, %scan3A_90 = %broadcast_in_dim3A_64, %scan3A_91 = %broadcast_in_dim3A_72) -> (vector<16xf32>, vector<16xf32>, vector<16xf32>)  : i32 {
      %broadcast_in_dim3A_92 = arith.constant -1.000000e+00 : f32
      %broadcast_in_dim3A_93 = vector.broadcast %broadcast_in_dim3A_92 : f32 to vector<16xf32>
      %broadcast_in_dim3A_94 = arith.constant 0 : i32
      %broadcast_in_dim3A_95 = vector.broadcast %broadcast_in_dim3A_94 : i32 to vector<16xi32>
      %parallel_loop3A_96 = arith.constant 0 : i32
      %parallel_loop3A_97 = arith.constant 512 : i32
      %parallel_loop3A_98 = arith.constant 16 : i32
      %parallel_loop3A_99:2 = scf.for %parallel_loop3A_180 = %parallel_loop3A_96 to %parallel_loop3A_97 step %parallel_loop3A_98 iter_args(%parallel_loop3A_181 = %broadcast_in_dim3A_93, %parallel_loop3A_182 = %broadcast_in_dim3A_95) -> (vector<16xf32>, vector<16xi32>)  : i32 {
        %parallel_loop3A_183 = arith.addi %mul3A_32, %parallel_loop3A_180 : i32
        %parallel_loop3A_184 = arith.index_cast %parallel_loop3A_183 : i32 to index
        %parallel_loop3A_185 = tpu.vector_load %arg4[%parallel_loop3A_184] {strides = array<i32>} : memref<2048xf32, #tpu.memory_space<vmem>>, vector<16xf32>,
        %parallel_loop3A_186 = arith.subf %parallel_loop3A_185, %scan3A_89 : vector<16xf32>
        %parallel_loop3A_187 = arith.addi %mul3A_32, %parallel_loop3A_180 : i32
        %parallel_loop3A_188 = arith.index_cast %parallel_loop3A_187 : i32 to index
        %parallel_loop3A_189 = tpu.vector_load %arg6[%parallel_loop3A_188] {strides = array<i32>} : memref<2048xf32, #tpu.memory_space<vmem>>, vector<16xf32>,
        %parallel_loop3A_190 = arith.subf %parallel_loop3A_189, %scan3A_91 : vector<16xf32>
        %parallel_loop3A_191 = arith.mulf %parallel_loop3A_186, %parallel_loop3A_186 : vector<16xf32>
        %parallel_loop3A_192 = arith.mulf %parallel_loop3A_190, %parallel_loop3A_190 : vector<16xf32>
        %parallel_loop3A_193 = arith.addf %parallel_loop3A_191, %parallel_loop3A_192 : vector<16xf32>
        %parallel_loop3A_194 = arith.addi %mul3A_32, %parallel_loop3A_180 : i32
        %parallel_loop3A_195 = arith.index_cast %parallel_loop3A_194 : i32 to index
        %parallel_loop3A_196 = tpu.vector_load %arg5[%parallel_loop3A_195] {strides = array<i32>} : memref<2048xf32, #tpu.memory_space<vmem>>, vector<16xf32>,
        %parallel_loop3A_197 = arith.subf %parallel_loop3A_196, %scan3A_90 : vector<16xf32>
        %parallel_loop3A_198 = arith.mulf %parallel_loop3A_197, %parallel_loop3A_197 : vector<16xf32>
        %parallel_loop3A_199 = arith.addf %parallel_loop3A_193, %parallel_loop3A_198 : vector<16xf32>
        %parallel_loop3A_200 = arith.index_cast %parallel_loop3A_180 : i32 to index
        %parallel_loop3A_201 = tpu.vector_load %arg7[%parallel_loop3A_200] {strides = array<i32>} : memref<512xf32, #tpu.memory_space<vmem>>, vector<16xf32>,
        %parallel_loop3A_202 = arith.minimumf %parallel_loop3A_201, %parallel_loop3A_199 : vector<16xf32>
        %parallel_loop3A_203 = arith.index_cast %parallel_loop3A_180 : i32 to index
        %parallel_loop3A_204 = tpu.vector_load %arg7[%parallel_loop3A_203] {strides = array<i32>} : memref<512xf32, #tpu.memory_space<vmem>>, vector<16xf32>,
        tpu.vector_store %arg7[%parallel_loop3A_203], %parallel_loop3A_202 {strides = array<i32>} : memref<512xf32, #tpu.memory_space<vmem>>, vector<16xf32>,
        %parallel_loop3A_205 = arith.cmpf ogt, %parallel_loop3A_202, %parallel_loop3A_181 : vector<16xf32>
        %parallel_loop3A_206 = arith.select %parallel_loop3A_205, %parallel_loop3A_202, %parallel_loop3A_181 : vector<16xi1>, vector<16xf32>
        %parallel_loop3A_207 = arith.addi %mul3A_32, %parallel_loop3A_180 : i32
        %parallel_loop3A_208 = vector.broadcast %parallel_loop3A_207 : i32 to vector<16xi32>
        %parallel_loop3A_209 = arith.addi %parallel_loop3A_208, %iota3A : vector<16xi32>
        %parallel_loop3A_210 = arith.select %parallel_loop3A_205, %parallel_loop3A_209, %parallel_loop3A_182 : vector<16xi1>, vector<16xi32>
        scf.yield %parallel_loop3A_206, %parallel_loop3A_210 : vector<16xf32>, vector<16xi32>
      } {sc.loop_unroll_factor = 8 : i64, sc.parallel_access}
      %swap3A_100 = arith.constant 0 : index
      %swap3A_101 = tpu.vector_load %arg10[%swap3A_100] {strides = array<i32>} : memref<32xf32, #tpu.memory_space<vmem>>, vector<16xf32>,
      tpu.vector_store %arg10[%swap3A_100], %parallel_loop3A_99#0 {strides = array<i32>} : memref<32xf32, #tpu.memory_space<vmem>>, vector<16xf32>,
      %bitcast3A = vector.bitcast %parallel_loop3A_99#1 : vector<16xi32> to vector<16xf32>
      %swap3A_102 = arith.constant 16 : index
      %swap3A_103 = tpu.vector_load %arg10[%swap3A_102] {strides = array<i32>} : memref<32xf32, #tpu.memory_space<vmem>>, vector<16xf32>,
      tpu.vector_store %arg10[%swap3A_102], %bitcast3A {strides = array<i32>} : memref<32xf32, #tpu.memory_space<vmem>>, vector<16xf32>,
      %rem3A_104 = arith.constant 2 : i32
      %rem3A_105 = arith.remsi %scan3A_88, %rem3A_104 : i32
      %mul3A_106 = arith.constant 4 : i32
      %mul3A_107 = arith.muli %rem3A_105, %mul3A_106 : i32
      %add3A_108 = arith.addi %mul3A_107, %select_n3A : i32
      %mul3A_109 = arith.constant 4 : i32
      %mul3A_110 = arith.muli %add3A_108, %mul3A_109 : i32
      %add3A_111 = arith.addi %mul3A_110, %select_n3A_28 : i32
      %mul3A_112 = arith.constant 32 : i32
      %mul3A_113 = arith.muli %add3A_111, %mul3A_112 : i32
      "tpu.region"() ({
        %run_scoped3A = tpu.sem_alloc : memref<!tpu.dma_semaphore, #tpu.memory_space<semaphore_mem>>
        %dma_start3A = tpu.memref_slice %arg12[%mul3A_113] : memref<1024xf32, #tpu.memory_space<vmem_shared>> -> memref<32xf32, #tpu.memory_space<vmem_shared>>
        %dma_start3A_180 = tpu.memref_slice %arg12[%mul3A_113] : memref<1024xf32, #tpu.memory_space<vmem_shared>> -> memref<32xf32, #tpu.memory_space<vmem_shared>>
        tpu.enqueue_dma source(%arg10 : memref<32xf32, #tpu.memory_space<vmem>>) target(%dma_start3A_180 : memref<32xf32, #tpu.memory_space<vmem_shared>>) target_semaphore(%run_scoped3A : memref<!tpu.dma_semaphore, #tpu.memory_space<semaphore_mem>>)
        %dma_wait3A = tpu.memref_slice %arg12[%mul3A_113] : memref<1024xf32, #tpu.memory_space<vmem_shared>> -> memref<32xf32, #tpu.memory_space<vmem_shared>>
        %dma_wait3A_181 = tpu.memref_slice %arg12[%mul3A_113] : memref<1024xf32, #tpu.memory_space<vmem_shared>> -> memref<32xf32, #tpu.memory_space<vmem_shared>>
        tpu.wait_dma2 semaphore(%run_scoped3A : memref<!tpu.dma_semaphore, #tpu.memory_space<semaphore_mem>>) src(%arg10 : memref<32xf32, #tpu.memory_space<vmem>>) dst(%dma_wait3A_181 : memref<32xf32, #tpu.memory_space<vmem_shared>>)
        tpu.yield
      }) : () -> ()
      %barrier3A = arith.constant 0 : index
      tpu.barrier barrier_id(%barrier3A)
      %mul3A_114 = arith.constant 4 : i32
      %mul3A_115 = arith.muli %rem3A_105, %mul3A_114 : i32
      %add3A_116 = arith.addi %mul3A_115, %select_n3A : i32
      %mul3A_117 = arith.constant 128 : i32
      %mul3A_118 = arith.muli %add3A_116, %mul3A_117 : i32
      "tpu.region"() ({
        %run_scoped3A = tpu.sem_alloc : memref<!tpu.dma_semaphore, #tpu.memory_space<semaphore_mem>>
        %dma_start3A = tpu.memref_slice %arg12[%mul3A_118] : memref<1024xf32, #tpu.memory_space<vmem_shared>> -> memref<128xf32, #tpu.memory_space<vmem_shared>>
        %dma_start3A_180 = tpu.memref_slice %arg12[%mul3A_118] : memref<1024xf32, #tpu.memory_space<vmem_shared>> -> memref<128xf32, #tpu.memory_space<vmem_shared>>
        tpu.enqueue_dma source(%dma_start3A_180 : memref<128xf32, #tpu.memory_space<vmem_shared>>) target(%arg11 : memref<128xf32, #tpu.memory_space<vmem>>) target_semaphore(%run_scoped3A : memref<!tpu.dma_semaphore, #tpu.memory_space<semaphore_mem>>)
        %dma_wait3A = tpu.memref_slice %arg12[%mul3A_118] : memref<1024xf32, #tpu.memory_space<vmem_shared>> -> memref<128xf32, #tpu.memory_space<vmem_shared>>
        %dma_wait3A_181 = tpu.memref_slice %arg12[%mul3A_118] : memref<1024xf32, #tpu.memory_space<vmem_shared>> -> memref<128xf32, #tpu.memory_space<vmem_shared>>
        tpu.wait_dma2 semaphore(%run_scoped3A : memref<!tpu.dma_semaphore, #tpu.memory_space<semaphore_mem>>) src(%dma_wait3A_181 : memref<128xf32, #tpu.memory_space<vmem_shared>>) dst(%arg11 : memref<128xf32, #tpu.memory_space<vmem>>)
        tpu.yield
      }) : () -> ()
      %get3A_119 = arith.constant 0 : index
      %get3A_120 = tpu.vector_load %arg11[%get3A_119] {strides = array<i32>} : memref<128xf32, #tpu.memory_space<vmem>>, vector<16xf32>,
      %get3A_121 = arith.constant 32 : index
      %get3A_122 = tpu.vector_load %arg11[%get3A_121] {strides = array<i32>} : memref<128xf32, #tpu.memory_space<vmem>>, vector<16xf32>,
      %get3A_123 = arith.constant 64 : index
      %get3A_124 = tpu.vector_load %arg11[%get3A_123] {strides = array<i32>} : memref<128xf32, #tpu.memory_space<vmem>>, vector<16xf32>,
      %get3A_125 = arith.constant 96 : index
      %get3A_126 = tpu.vector_load %arg11[%get3A_125] {strides = array<i32>} : memref<128xf32, #tpu.memory_space<vmem>>, vector<16xf32>,
      %get3A_127 = arith.constant 16 : index
      %get3A_128 = tpu.vector_load %arg11[%get3A_127] {strides = array<i32>} : memref<128xf32, #tpu.memory_space<vmem>>, vector<16xf32>,
      %bitcast3A_129 = vector.bitcast %get3A_128 : vector<16xf32> to vector<16xi32>
      %get3A_130 = arith.constant 48 : index
      %get3A_131 = tpu.vector_load %arg11[%get3A_130] {strides = array<i32>} : memref<128xf32, #tpu.memory_space<vmem>>, vector<16xf32>,
      %bitcast3A_132 = vector.bitcast %get3A_131 : vector<16xf32> to vector<16xi32>
      %get3A_133 = arith.constant 80 : index
      %get3A_134 = tpu.vector_load %arg11[%get3A_133] {strides = array<i32>} : memref<128xf32, #tpu.memory_space<vmem>>, vector<16xf32>,
      %bitcast3A_135 = vector.bitcast %get3A_134 : vector<16xf32> to vector<16xi32>
      %get3A_136 = arith.constant 112 : index
      %get3A_137 = tpu.vector_load %arg11[%get3A_136] {strides = array<i32>} : memref<128xf32, #tpu.memory_space<vmem>>, vector<16xf32>,
      %bitcast3A_138 = vector.bitcast %get3A_137 : vector<16xf32> to vector<16xi32>
      %max3A = arith.maximumf %get3A_120, %get3A_122 : vector<16xf32>
      %max3A_139 = arith.maximumf %get3A_124, %get3A_126 : vector<16xf32>
      %max3A_140 = arith.maximumf %max3A, %max3A_139 : vector<16xf32>
      %reduce_max3A = arith.constant true
      %reduce_max3A_141 = vector.broadcast %reduce_max3A : i1 to vector<16xi1>
      %reduce_max3A_142 = tpu.scan <max>, %max3A_140 masked %reduce_max3A_141 : vector<16xf32>, vector<16xi1> -> vector<16xf32>
      %reduce_max3A_143 = vector.extract %reduce_max3A_142[15] : f32 from vector<16xf32>
      %eq3A_144 = vector.broadcast %reduce_max3A_143 : f32 to vector<16xf32>
      %eq3A_145 = arith.cmpf oeq, %get3A_120, %eq3A_144 : vector<16xf32>
      %jit3A_146 = arith.constant 1073741824 : i32
      %broadcast_in_dim3A_147 = vector.broadcast %jit3A_146 : i32 to vector<16xi32>
      %select_n3A_148 = arith.select %eq3A_145, %bitcast3A_129, %broadcast_in_dim3A_147 : vector<16xi1>, vector<16xi32>
      %eq3A_149 = vector.broadcast %reduce_max3A_143 : f32 to vector<16xf32>
      %eq3A_150 = arith.cmpf oeq, %get3A_122, %eq3A_149 : vector<16xf32>
      %jit3A_151 = arith.constant 1073741824 : i32
      %broadcast_in_dim3A_152 = vector.broadcast %jit3A_151 : i32 to vector<16xi32>
      %select_n3A_153 = arith.select %eq3A_150, %bitcast3A_132, %broadcast_in_dim3A_152 : vector<16xi1>, vector<16xi32>
      %eq3A_154 = vector.broadcast %reduce_max3A_143 : f32 to vector<16xf32>
      %eq3A_155 = arith.cmpf oeq, %get3A_124, %eq3A_154 : vector<16xf32>
      %jit3A_156 = arith.constant 1073741824 : i32
      %broadcast_in_dim3A_157 = vector.broadcast %jit3A_156 : i32 to vector<16xi32>
      %select_n3A_158 = arith.select %eq3A_155, %bitcast3A_135, %broadcast_in_dim3A_157 : vector<16xi1>, vector<16xi32>
      %eq3A_159 = vector.broadcast %reduce_max3A_143 : f32 to vector<16xf32>
      %eq3A_160 = arith.cmpf oeq, %get3A_126, %eq3A_159 : vector<16xf32>
      %jit3A_161 = arith.constant 1073741824 : i32
      %broadcast_in_dim3A_162 = vector.broadcast %jit3A_161 : i32 to vector<16xi32>
      %select_n3A_163 = arith.select %eq3A_160, %bitcast3A_138, %broadcast_in_dim3A_162 : vector<16xi1>, vector<16xi32>
      %min3A = arith.minsi %select_n3A_148, %select_n3A_153 : vector<16xi32>
      %min3A_164 = arith.minsi %select_n3A_158, %select_n3A_163 : vector<16xi32>
      %min3A_165 = arith.minsi %min3A, %min3A_164 : vector<16xi32>
      %reduce_min3A = arith.constant true
      %reduce_min3A_166 = vector.broadcast %reduce_min3A : i1 to vector<16xi1>
      %reduce_min3A_167 = arith.constant -2147483648 : i32
      %reduce_min3A_168 = vector.broadcast %reduce_min3A_167 : i32 to vector<16xi32>
      %reduce_min3A_169 = arith.xori %min3A_165, %reduce_min3A_168 : vector<16xi32>
      %reduce_min3A_170 = tpu.scan <min>, %reduce_min3A_169 masked %reduce_min3A_166 : vector<16xi32>, vector<16xi1> -> vector<16xi32>
      %reduce_min3A_171 = arith.xori %reduce_min3A_170, %reduce_min3A_168 : vector<16xi32>
      %reduce_min3A_172 = vector.extract %reduce_min3A_171[15] : i32 from vector<16xi32>
      %broadcast_in_dim3A_173 = vector.broadcast %reduce_min3A_172 : i32 to vector<16xi32>
      %broadcast_in_dim3A_174 = vector.broadcast %scan3A_88 : i32 to vector<16xi32>
      %eq3A_175 = arith.constant 0 : i32
      %eq3A_176 = vector.broadcast %eq3A_175 : i32 to vector<16xi32>
      %eq3A_177 = arith.cmpi eq, %iota3A, %eq3A_176 : vector<16xi32>
      tpu.vector_store_idx %arg8[%broadcast_in_dim3A_174], %broadcast_in_dim3A_173 masked %eq3A_177 : memref<2048xi32, #tpu.memory_space<vmem>>[vector<16xi32>], vector<16xi32>, vector<16xi1>
      %gather3A = tpu.vector_load_idx %arg4[%broadcast_in_dim3A_173] : memref<2048xf32, #tpu.memory_space<vmem>>[vector<16xi32>], vector<16xf32>,
      %gather3A_178 = tpu.vector_load_idx %arg5[%broadcast_in_dim3A_173] : memref<2048xf32, #tpu.memory_space<vmem>>[vector<16xi32>], vector<16xf32>,
      %gather3A_179 = tpu.vector_load_idx %arg6[%broadcast_in_dim3A_173] : memref<2048xf32, #tpu.memory_space<vmem>>[vector<16xi32>], vector<16xf32>,
      scf.yield %gather3A, %gather3A_178, %gather3A_179 : vector<16xf32>, vector<16xf32>, vector<16xf32>
    }
    %scan3A_77 = arith.constant 2047 : i32
    %parallel_loop3A_78 = arith.constant 0 : i32
    %parallel_loop3A_79 = arith.constant 512 : i32
    %parallel_loop3A_80 = arith.constant 16 : i32
    scf.for %parallel_loop3A_88 = %parallel_loop3A_78 to %parallel_loop3A_79 step %parallel_loop3A_80  : i32 {
      %parallel_loop3A_89 = arith.addi %mul3A_32, %parallel_loop3A_88 : i32
      %parallel_loop3A_90 = arith.index_cast %parallel_loop3A_89 : i32 to index
      %parallel_loop3A_91 = tpu.vector_load %arg8[%parallel_loop3A_90] {strides = array<i32>} : memref<2048xi32, #tpu.memory_space<vmem>>, vector<16xi32>,
      %parallel_loop3A_92 = vector.broadcast %parallel_loop3A_88 : i32 to vector<16xi32>
      %parallel_loop3A_93 = arith.addi %parallel_loop3A_92, %iota3A : vector<16xi32>
      %parallel_loop3A_94 = arith.constant 3 : i32
      %parallel_loop3A_95 = vector.broadcast %parallel_loop3A_94 : i32 to vector<16xi32>
      %parallel_loop3A_96 = arith.muli %parallel_loop3A_93, %parallel_loop3A_95 : vector<16xi32>
      %parallel_loop3A_97 = tpu.vector_load_idx %arg4[%parallel_loop3A_91] : memref<2048xf32, #tpu.memory_space<vmem>>[vector<16xi32>], vector<16xf32>,
      tpu.vector_store_idx %arg9[%parallel_loop3A_96], %parallel_loop3A_97 : memref<1536xf32, #tpu.memory_space<vmem>>[vector<16xi32>], vector<16xf32>,
      %parallel_loop3A_98 = arith.constant 1 : i32
      %parallel_loop3A_99 = vector.broadcast %parallel_loop3A_98 : i32 to vector<16xi32>
      %parallel_loop3A_100 = arith.addi %parallel_loop3A_96, %parallel_loop3A_99 : vector<16xi32>
      %parallel_loop3A_101 = tpu.vector_load_idx %arg5[%parallel_loop3A_91] : memref<2048xf32, #tpu.memory_space<vmem>>[vector<16xi32>], vector<16xf32>,
      tpu.vector_store_idx %arg9[%parallel_loop3A_100], %parallel_loop3A_101 : memref<1536xf32, #tpu.memory_space<vmem>>[vector<16xi32>], vector<16xf32>,
      %parallel_loop3A_102 = arith.constant 2 : i32
      %parallel_loop3A_103 = vector.broadcast %parallel_loop3A_102 : i32 to vector<16xi32>
      %parallel_loop3A_104 = arith.addi %parallel_loop3A_96, %parallel_loop3A_103 : vector<16xi32>
      %parallel_loop3A_105 = tpu.vector_load_idx %arg6[%parallel_loop3A_91] : memref<2048xf32, #tpu.memory_space<vmem>>[vector<16xi32>], vector<16xf32>,
      tpu.vector_store_idx %arg9[%parallel_loop3A_104], %parallel_loop3A_105 : memref<1536xf32, #tpu.memory_space<vmem>>[vector<16xi32>], vector<16xf32>,
    } {sc.loop_unroll_factor = 4 : i64, sc.parallel_access}
    %mul3A_81 = arith.constant 3 : i32
    %mul3A_82 = arith.muli %add3A_30, %mul3A_81 : i32
    %mul3A_83 = arith.constant 2048 : i32
    %mul3A_84 = arith.muli %mul3A_82, %mul3A_83 : i32
    %mul3A_85 = arith.constant 3 : i32
    %mul3A_86 = arith.muli %mul3A_32, %mul3A_85 : i32
    %add3A_87 = arith.addi %mul3A_84, %mul3A_86 : i32
    "tpu.region"() ({
      %run_scoped3A = tpu.sem_alloc : memref<!tpu.dma_semaphore, #tpu.memory_space<semaphore_mem>>
      %dma_start3A = tpu.memref_slice %arg3[%add3A_87] : memref<49152xf32, #tpu.memory_space<hbm>> -> memref<1536xf32, #tpu.memory_space<hbm>>
      %dma_start3A_88 = tpu.memref_slice %arg3[%add3A_87] : memref<49152xf32, #tpu.memory_space<hbm>> -> memref<1536xf32, #tpu.memory_space<hbm>>
      tpu.enqueue_dma source(%arg9 : memref<1536xf32, #tpu.memory_space<vmem>>) target(%dma_start3A_88 : memref<1536xf32, #tpu.memory_space<hbm>>) target_semaphore(%run_scoped3A : memref<!tpu.dma_semaphore, #tpu.memory_space<semaphore_mem>>)
      %dma_wait3A = tpu.memref_slice %arg3[%add3A_87] : memref<49152xf32, #tpu.memory_space<hbm>> -> memref<1536xf32, #tpu.memory_space<hbm>>
      %dma_wait3A_89 = tpu.memref_slice %arg3[%add3A_87] : memref<49152xf32, #tpu.memory_space<hbm>> -> memref<1536xf32, #tpu.memory_space<hbm>>
      tpu.wait_dma2 semaphore(%run_scoped3A : memref<!tpu.dma_semaphore, #tpu.memory_space<semaphore_mem>>) src(%arg9 : memref<1536xf32, #tpu.memory_space<vmem>>) dst(%dma_wait3A_89 : memref<1536xf32, #tpu.memory_space<hbm>>)
      tpu.yield
    }) : () -> ()
    return
  }
}

module attributes {stable_mosaic.version = 14 : i64} {
  func.func @body(%arg0: i32, %arg1: memref<2048x3xf32, #tpu.memory_space<vmem>>, %arg2: memref<3x128xf32, #tpu.memory_space<vmem>>, %arg3: memref<1x128xf32, #tpu.memory_space<vmem>>, %arg4: memref<128x256xf32, #tpu.memory_space<vmem>>, %arg5: memref<1x256xf32, #tpu.memory_space<vmem>>, %arg6: memref<256x128xf32, #tpu.memory_space<vmem>>, %arg7: memref<1x128xf32, #tpu.memory_space<vmem>>, %arg8: memref<128x3xf32, #tpu.memory_space<vmem>>, %arg9: memref<1x3xf32, #tpu.memory_space<vmem>>, %arg10: memref<2048x3xf32, #tpu.memory_space<vmem>>) attributes {dimension_semantics = [#tpu.dimension_semantics<arbitrary>], iteration_bounds = array<i64: 8>, scalar_prefetch = 0 : i64, scratch_operands = 0 : i64, tpu.core_type = #tpu.core_type<tc>, window_params = [{transform_indices = @transform_0, window_bounds = array<i64: 2048, 3>}, {pipeline_mode = #tpu.pipeline_mode<synchronous>, transform_indices = @transform_1, window_bounds = array<i64: 3, 128>}, {pipeline_mode = #tpu.pipeline_mode<synchronous>, transform_indices = @transform_2, window_bounds = array<i64: 1, 128>}, {pipeline_mode = #tpu.pipeline_mode<synchronous>, transform_indices = @transform_3, window_bounds = array<i64: 128, 256>}, {pipeline_mode = #tpu.pipeline_mode<synchronous>, transform_indices = @transform_4, window_bounds = array<i64: 1, 256>}, {pipeline_mode = #tpu.pipeline_mode<synchronous>, transform_indices = @transform_5, window_bounds = array<i64: 256, 128>}, {pipeline_mode = #tpu.pipeline_mode<synchronous>, transform_indices = @transform_6, window_bounds = array<i64: 1, 128>}, {pipeline_mode = #tpu.pipeline_mode<synchronous>, transform_indices = @transform_7, window_bounds = array<i64: 128, 3>}, {pipeline_mode = #tpu.pipeline_mode<synchronous>, transform_indices = @transform_8, window_bounds = array<i64: 1, 3>}, {transform_indices = @transform_9, window_bounds = array<i64: 2048, 3>}]} {
    %get3A = arith.constant 0 : index
    %get3A_0 = arith.constant 0 : index
    %get3A_1 = vector.load %arg1[%get3A, %get3A_0] : memref<2048x3xf32, #tpu.memory_space<vmem>>, vector<2048x3xf32>
    %get3A_2 = arith.constant 0 : index
    %get3A_3 = arith.constant 0 : index
    %get3A_4 = vector.load %arg2[%get3A_2, %get3A_3] : memref<3x128xf32, #tpu.memory_space<vmem>>, vector<3x128xf32>
    %dot_general3A = arith.constant dense<0.000000e+00> : vector<2048x128xf32>
    %dot_general3A_5 = tpu.matmul %get3A_1, %get3A_4, %dot_general3A {dimension_numbers = #tpu.dot_dimension_numbers<[1], [0], [0], [1], [0, 0, 1, 1], [], []>, transpose_lhs_hint = false} : vector<2048x3xf32>, vector<3x128xf32>, vector<2048x128xf32> -> vector<2048x128xf32>
    %get3A_6 = arith.constant 0 : index
    %get3A_7 = arith.constant 0 : index
    %get3A_8 = vector.load %arg3[%get3A_6, %get3A_7] : memref<1x128xf32, #tpu.memory_space<vmem>>, vector<1x128xf32>
    %add3A = vector.broadcast %get3A_8 : vector<1x128xf32> to vector<2048x128xf32>
    %add3A_9 = arith.addf %dot_general3A_5, %add3A : vector<2048x128xf32>
    %max3A = arith.constant 0.000000e+00 : f32
    %max3A_10 = vector.broadcast %max3A : f32 to vector<2048x128xf32>
    %max3A_11 = arith.maximumf %add3A_9, %max3A_10 : vector<2048x128xf32>
    %get3A_12 = arith.constant 0 : index
    %get3A_13 = arith.constant 0 : index
    %get3A_14 = vector.load %arg4[%get3A_12, %get3A_13] : memref<128x256xf32, #tpu.memory_space<vmem>>, vector<128x256xf32>
    %dot_general3A_15 = arith.constant dense<0.000000e+00> : vector<2048x256xf32>
    %dot_general3A_16 = tpu.matmul %max3A_11, %get3A_14, %dot_general3A_15 {dimension_numbers = #tpu.dot_dimension_numbers<[1], [0], [0], [1], [0, 0, 1, 1], [], []>, transpose_lhs_hint = false} : vector<2048x128xf32>, vector<128x256xf32>, vector<2048x256xf32> -> vector<2048x256xf32>
    %get3A_17 = arith.constant 0 : index
    %get3A_18 = arith.constant 0 : index
    %get3A_19 = vector.load %arg5[%get3A_17, %get3A_18] : memref<1x256xf32, #tpu.memory_space<vmem>>, vector<1x256xf32>
    %add3A_20 = vector.broadcast %get3A_19 : vector<1x256xf32> to vector<2048x256xf32>
    %add3A_21 = arith.addf %dot_general3A_16, %add3A_20 : vector<2048x256xf32>
    %max3A_22 = arith.constant 0.000000e+00 : f32
    %max3A_23 = vector.broadcast %max3A_22 : f32 to vector<2048x256xf32>
    %max3A_24 = arith.maximumf %add3A_21, %max3A_23 : vector<2048x256xf32>
    %get3A_25 = arith.constant 0 : index
    %get3A_26 = arith.constant 0 : index
    %get3A_27 = vector.load %arg6[%get3A_25, %get3A_26] : memref<256x128xf32, #tpu.memory_space<vmem>>, vector<256x128xf32>
    %dot_general3A_28 = arith.constant dense<0.000000e+00> : vector<2048x128xf32>
    %dot_general3A_29 = tpu.matmul %max3A_24, %get3A_27, %dot_general3A_28 {dimension_numbers = #tpu.dot_dimension_numbers<[1], [0], [0], [1], [0, 0, 1, 1], [], []>, transpose_lhs_hint = false} : vector<2048x256xf32>, vector<256x128xf32>, vector<2048x128xf32> -> vector<2048x128xf32>
    %get3A_30 = arith.constant 0 : index
    %get3A_31 = arith.constant 0 : index
    %get3A_32 = vector.load %arg7[%get3A_30, %get3A_31] : memref<1x128xf32, #tpu.memory_space<vmem>>, vector<1x128xf32>
    %add3A_33 = vector.broadcast %get3A_32 : vector<1x128xf32> to vector<2048x128xf32>
    %add3A_34 = arith.addf %dot_general3A_29, %add3A_33 : vector<2048x128xf32>
    %max3A_35 = arith.constant 0.000000e+00 : f32
    %max3A_36 = vector.broadcast %max3A_35 : f32 to vector<2048x128xf32>
    %max3A_37 = arith.maximumf %add3A_34, %max3A_36 : vector<2048x128xf32>
    %get3A_38 = arith.constant 0 : index
    %get3A_39 = arith.constant 0 : index
    %get3A_40 = vector.load %arg8[%get3A_38, %get3A_39] : memref<128x3xf32, #tpu.memory_space<vmem>>, vector<128x3xf32>
    %dot_general3A_41 = arith.constant dense<0.000000e+00> : vector<2048x3xf32>
    %dot_general3A_42 = tpu.matmul %max3A_37, %get3A_40, %dot_general3A_41 {dimension_numbers = #tpu.dot_dimension_numbers<[1], [0], [0], [1], [0, 0, 1, 1], [], []>, transpose_lhs_hint = false} : vector<2048x128xf32>, vector<128x3xf32>, vector<2048x3xf32> -> vector<2048x3xf32>
    %add3A_43 = arith.addf %get3A_1, %dot_general3A_42 : vector<2048x3xf32>
    %get3A_44 = arith.constant 0 : index
    %get3A_45 = arith.constant 0 : index
    %get3A_46 = vector.load %arg9[%get3A_44, %get3A_45] : memref<1x3xf32, #tpu.memory_space<vmem>>, vector<1x3xf32>
    %add3A_47 = vector.broadcast %get3A_46 : vector<1x3xf32> to vector<2048x3xf32>
    %add3A_48 = arith.addf %add3A_43, %add3A_47 : vector<2048x3xf32>
    %swap3A = arith.constant 0 : index
    %swap3A_49 = arith.constant 0 : index
    %swap3A_50 = vector.load %arg10[%swap3A, %swap3A_49] : memref<2048x3xf32, #tpu.memory_space<vmem>>, vector<2048x3xf32>
    tpu.vector_store %arg10[%swap3A, %swap3A_49], %add3A_48 {strides = array<i32>} : memref<2048x3xf32, #tpu.memory_space<vmem>>, vector<2048x3xf32>,
    return
  }
  func.func @transform_0(%arg0: i32) -> (i32, i32) {
    %c0_i32 = arith.constant 0 : i32
    %c0_i32_0 = arith.constant 0 : i32
    return %arg0, %c0_i32 : i32, i32
  }
  func.func @transform_1(%arg0: i32) -> (i32, i32) {
    %c0_i32 = arith.constant 0 : i32
    %c0_i32_0 = arith.constant 0 : i32
    %c0_i32_1 = arith.constant 0 : i32
    return %c0_i32, %c0_i32_0 : i32, i32
  }
  func.func @transform_2(%arg0: i32) -> (i32, i32) {
    %c0_i32 = arith.constant 0 : i32
    %c0_i32_0 = arith.constant 0 : i32
    %c0_i32_1 = arith.constant 0 : i32
    return %c0_i32, %c0_i32_0 : i32, i32
  }
  func.func @transform_3(%arg0: i32) -> (i32, i32) {
    %c0_i32 = arith.constant 0 : i32
    %c0_i32_0 = arith.constant 0 : i32
    %c0_i32_1 = arith.constant 0 : i32
    return %c0_i32, %c0_i32_0 : i32, i32
  }
  func.func @transform_4(%arg0: i32) -> (i32, i32) {
    %c0_i32 = arith.constant 0 : i32
    %c0_i32_0 = arith.constant 0 : i32
    %c0_i32_1 = arith.constant 0 : i32
    return %c0_i32, %c0_i32_0 : i32, i32
  }
  func.func @transform_5(%arg0: i32) -> (i32, i32) {
    %c0_i32 = arith.constant 0 : i32
    %c0_i32_0 = arith.constant 0 : i32
    %c0_i32_1 = arith.constant 0 : i32
    return %c0_i32, %c0_i32_0 : i32, i32
  }
  func.func @transform_6(%arg0: i32) -> (i32, i32) {
    %c0_i32 = arith.constant 0 : i32
    %c0_i32_0 = arith.constant 0 : i32
    %c0_i32_1 = arith.constant 0 : i32
    return %c0_i32, %c0_i32_0 : i32, i32
  }
  func.func @transform_7(%arg0: i32) -> (i32, i32) {
    %c0_i32 = arith.constant 0 : i32
    %c0_i32_0 = arith.constant 0 : i32
    %c0_i32_1 = arith.constant 0 : i32
    return %c0_i32, %c0_i32_0 : i32, i32
  }
  func.func @transform_8(%arg0: i32) -> (i32, i32) {
    %c0_i32 = arith.constant 0 : i32
    %c0_i32_0 = arith.constant 0 : i32
    %c0_i32_1 = arith.constant 0 : i32
    return %c0_i32, %c0_i32_0 : i32, i32
  }
  func.func @transform_9(%arg0: i32) -> (i32, i32) {
    %c0_i32 = arith.constant 0 : i32
    %c0_i32_0 = arith.constant 0 : i32
    return %arg0, %c0_i32 : i32, i32
  }
}

</mosaic_0001>

<sc_bundles>
// kernel: kernel.4.cloned.1.call-start
scs
__scs_entry_jumppad:
0x0: {  	(pc) =	sbr.rel $0x88, $3  }
0x1: {  	(tag) =	ssettag $0x0;
	lr =	simm.s32 $0x1  }
0x2: {  	[smem:$0x3F98] =	sst lr;
	_ =	strace $0xD0000000  }
0x3: {  	_ = 	snop  }
0x4: {  	_ = 	snop  }
0x5: {  	_ = 	snop  }
0x6: {  	_ = 	snop  }
0x7: {  	_ = 	snop  }
__scs_overlays_trampoline_lowered:
0x8: {  	[smem:$0x3FA7] =	sst s0  }
0x9: {  	[smem:$0x3FA8] =	sst s1  }
0xa: {  	[smem:$0x3FA9] =	sst s2  }
0xb: {  	[smem:$0x3FAA] =	sst s3  }
0xc: {  	[smem:$0x3FAB] =	sst s4  }
0xd: {  	[smem:$0x3FAC] =	sst s5  }
0xe: {  	[smem:$0x3FAD] =	sst s6  }
0xf: {  	[smem:$0x3FAE] =	sst s7  }
0x10: {  	[smem:$0x3FAF] =	sst s8  }
0x11: {  	[smem:$0x3FB0] =	sst s9;
	s0 =	simm.s32 @!p0 $0x0  }
0x12: {  	s1 =	sld [smem:$0x3F96];
	s0 =	simm.s32 @p0 $0x1  }
0x13: {  	[smem:$0x3FB1] =	sst s0;
	s0 =	simm.s32 @!p1 $0x0  }
0x14: {  	s2 =	sld [smem:$0x3F95];
	s0 =	simm.s32 @p1 $0x1  }
0x15: {  	[smem:$0x3FB2] =	sst s0;
	s0 =	simm.s32 @!p2 $0x0  }
0x16: {  	s3 =	sld [smem:$0x3FDB];
	s0 =	simm.s32 @p2 $0x1  }
0x17: {  	s4 =	simm.s32 $0x1BF5;
	[smem:$0x3FB4] =	sst s0  }
0x18: {  	s0 =	sld [smem:$0x3F97];
	_ =	swait.ge [sflag:s4], $0x0  }
0x19: {  	s7 =	sld [smem:$0x3F98]  }
0x1a: {  	s8 =	sadd.s32 $0xFFFFE003, lr  }
0x1b: {  	s9 =	sadd.s32 $0xFFFFFEF7, lr;
	s5 =	simm.s32 $0xFFFFFFFF;
	p2 =	slt.u32 s8, $0xFFFFF086  }
0x1c: {  	p1 =	slt.u32 s9, $0xF7A;
	s5 =	simm.s32 @!p2 $0x0  }
0x1d: {  	s5 =	simm.s32 @p1 $0x1;
	p0 =	seq.s32 s7, s2  }
0x1e: {  	s7 =	smul.u32 @!p0 $0xF7A, s2;
	p2 =	seq.s32 @!p0 s5, $0x0  }
0x1f: {  	s9 =	smul.u32 $0xF7A, s1;
	s8 =	simm.s32 @!p0 $0x1BF5;
	p2 =	por !p2, p0  }
0x20: {  	[sflag:s8] =	ssyncset.s32 @!p0 $0xFFFFF086;
	s6 =	sadd.s32 @!p0 s3, s7;
	s7 =	simm.s32 @!p0 $0x108  }
0x21: {  	s3 =	sadd.s32 s3, s9;
	s6 =	sadd.s32 @!p0 $0x88, s6;
	s7 =	simm.s32 @p2 $0x1082  }
0x22: {  	[simem:s7], [sflag:s8] =	dma.local @!p0 [hbm:s6], $0xF7A  }
0x23: {  	s9 =	sor.u32 $0xD0000000, s2;
	s6 =	simm.s32 $0x108;
	_ =	swait.ge @!p0 [sflag:s8], $0x0  }
0x24: {  	s3 =	sadd.s32 $0x88, s3;
	s6 =	simm.s32 @!p1 $0x1082;
	[sflag:s4] =	ssyncset.s32 $0xFFFFF086  }
0x25: {  	[simem:s6], [sflag:s4] =	dma.local [hbm:s3], $0xF7A  }
0x26: {  	[smem:$0x3F98] =	sst s1;
	(tag) =	ssettag s2;
	_ =	strace s9  }
0x27: {  	s1 =	sld [smem:$0x3FA8]  }
0x28: {  	s2 =	sld [smem:$0x3FA9]  }
0x29: {  	s4 =	sld [smem:$0x3FAB]  }
0x2a: {  	p0 =	seq.s32 s5, $0x0;
	s5 =	sld [smem:$0x3FAC]  }
0x2b: {  	s6 =	sld [smem:$0x3FAD]  }
0x2c: {  	s7 =	sld [smem:$0x3FAE]  }
0x2d: {  	s3 =	simm.s32 $0x108;
	s8 =	sld [smem:$0x3FAF]  }
0x2e: {  	s3 =	simm.s32 @!p0 $0x1082;
	s9 =	sld [smem:$0x3FB0]  }
0x2f: {  	lr =	sadd.s32 s0, s3;
	s0 =	sld [smem:$0x3FA7]  }
0x30: {  	s3 =	sld [smem:$0x3FAA]  }
0x31: {  	[smem:$0x3FB3] =	sst s10  }
0x32: {  	s10 =	sld [smem:$0x3FB1];
	_ =	sdelay $0x3  }
0x33: {  	p0 =	seq.s32 s10, $0x1;
	s10 =	sld [smem:$0x3FB3];
	_ =	sdelay $0x3  }
0x34: {  	[smem:$0x3FB3] =	sst s10  }
0x35: {  	s10 =	sld [smem:$0x3FB2];
	_ =	sdelay $0x3  }
0x36: {  	p1 =	seq.s32 s10, $0x1;
	s10 =	sld [smem:$0x3FB3];
	_ =	sdelay $0x3  }
0x37: {  	[smem:$0x3FB3] =	sst s10  }
0x38: {  	s10 =	sld [smem:$0x3FB4]  }
0x39: {  	_ = 	snop;
	(pc) =	sbr.ind lr, $3  }
0x3a: {  	_ = 	snop  }
0x3b: {  	_ = 	snop  }
0x3c: {  	p2 =	seq.s32 s10, $0x1;
	s10 =	sld [smem:$0x3FB3]  }
0x3d: {  	_ =	shalt  }
0x3e: {  	_ =	shalt  }
0x3f: {  	_ =	shalt  }
0x40: {  	_ =	shalt  }
0x41: {  	_ =	shalt  }
0x42: {  	_ =	shalt  }
0x43: {  	_ =	shalt  }
0x44: {  	_ =	shalt  }
0x45: {  	_ =	shalt  }
0x46: {  	_ =	shalt  }
0x47: {  	_ =	shalt  }
0x48: {  	_ =	shalt  }
0x49: {  	_ =	shalt  }
0x4a: {  	_ =	shalt  }
0x4b: {  	_ =	shalt  }
0x4c: {  	_ =	shalt  }
0x4d: {  	_ =	shalt  }
0x4e: {  	_ =	shalt  }
0x4f: {  	_ =	shalt  }
0x50: {  	_ =	shalt  }
0x51: {  	_ =	shalt  }
0x52: {  	_ =	shalt  }
0x53: {  	_ =	shalt  }
0x54: {  	_ =	shalt  }
0x55: {  	_ =	shalt  }
0x56: {  	_ =	shalt  }
0x57: {  	_ =	shalt  }
0x58: {  	_ =	shalt  }
0x59: {  	_ =	shalt  }
0x5a: {  	_ =	shalt  }
0x5b: {  	_ =	shalt  }
0x5c: {  	_ =	shalt  }
0x5d: {  	_ =	shalt  }
0x5e: {  	_ =	shalt  }
0x5f: {  	_ =	shalt  }
0x60: {  	_ =	shalt  }
0x61: {  	_ =	shalt  }
0x62: {  	_ =	shalt  }
0x63: {  	_ =	shalt  }
0x64: {  	_ =	shalt  }
0x65: {  	_ =	shalt  }
0x66: {  	_ =	shalt  }
0x67: {  	_ =	shalt  }
0x68: {  	_ =	shalt  }
0x69: {  	_ =	shalt  }
0x6a: {  	_ =	shalt  }
0x6b: {  	_ =	shalt  }
0x6c: {  	_ =	shalt  }
0x6d: {  	_ =	shalt  }
0x6e: {  	_ =	shalt  }
0x6f: {  	_ =	shalt  }
0x70: {  	_ =	shalt  }
0x71: {  	_ =	shalt  }
0x72: {  	_ =	shalt  }
0x73: {  	_ =	shalt  }
0x74: {  	_ =	shalt  }
0x75: {  	_ =	shalt  }
0x76: {  	_ =	shalt  }
0x77: {  	_ =	shalt  }
0x78: {  	_ =	shalt  }
0x79: {  	_ =	shalt  }
0x7a: {  	_ =	shalt  }
0x7b: {  	_ =	shalt  }
0x7c: {  	_ =	shalt  }
0x7d: {  	_ =	shalt  }
0x7e: {  	_ =	shalt  }
0x7f: {  	_ =	shalt  }
0x80: {  	_ =	shalt  }
0x81: {  	_ =	shalt  }
0x82: {  	_ =	shalt  }
0x83: {  	_ =	shalt  }
0x84: {  	_ =	shalt  }
0x85: {  	_ =	shalt  }
0x86: {  	_ =	shalt  }
0x87: {  	_ =	shalt  }
.Lfunc_end0:
.L_simem_size_0:
called_computation_lowered:
.L_overlay_start_0:
0x88: {  	s2 =	sld [smem:$0x3FD9]  }
0x89: {  	s3 =	sld [smem:$0x3FFE];
	_ =	sdelay $0x1  }
0x8a: {  	s1 =	srdreg.scid  }
0x8b: {  	s0 =	sand.u32 $0x1, s1  }
0x8c: {  	s17 =	sshll.u32 s0, $0xA;
	s2 =	sadd.s32 s3, s2  }
0x8d: {  	s2 =	sadd.s32 s2, s17  }
0x8e: {  	[smem:$0x3FBF] =	sst s2  }
0x8f: {  	_ = 	snop  }
0x90: {  	s2 =	sld [smem:$0x3FD0];
	(tm) =	ssettm $0x1  }
0x91: {  	s18 =	sld [smem:$0x3FFB];
	_ =	sdelay $0x3  }
0x92: {  	_ =	strace s18  }
0x93: {  	s3 =	sld [smem:$0x3FFC];
	_ =	sdelay $0x3  }
0x94: {  	_ =	strace s3  }
0x95: {  	s3 =	sld [smem:$0x3FFD];
	_ =	sdelay $0x3  }
0x96: {  	_ =	strace s3  }
0x97: {  	_ =	strace $0x8FFFFFFF  }
0x98: {  	s19 =	sld [smem:$0x3FDB];
	_ =	sdelay $0x1  }
0x99: {  	s4 =	simm.s32 $_scs_section_size  }
0x9a: {  	s5 =	simm.s32 $_size__tile_overlayer_lowered;
	s6 =	simm.s32 $_tile_overlayer_lowered  }
0x9b: {  	s22 =	simm.s32 $0x1BFF;
	s21 =	sshll.u32 s6, $0x1;
	s3 =	sadd.s32 s4, s19  }
0x9c: {  	s7 =	simm.s32 $0x0;
	s20 =	sshll.u32 s5, $0x1;
	s5 =	sadd.s32 s21, s3  }
0x9d: {  	[timem:s7], [sflag:s22] =	dma.local [hbm:s5], s20  }
0x9e: {  	_ =	swait.ge [sflag:s22], s20  }
0x9f: {  	s4 =	ssub.s32 $0x0, s20;
	[sflag:s22] =	ssyncset.done $0x0  }
0xa0: {  	[sflag:s22] =	ssyncadd.s32 s4;
	_ =	sdelay $0x1  }
0xa1: {  	s23 =	simm.s32 $0x1B8B  }
0xa2: {  	_ =	swait.ge [sflag:s23], $0x1  }
0xa3: {  	[sflag:s23] =	ssyncset.done $0x0  }
0xa4: {  	s25 =	simm.s32 $0x1B8E;
	s24 =	sld [smem:$0x3FFE];
	[sflag:s23] =	ssyncadd.s32 $0xFFFFFFFF  }
0xa5: {  	s26 =	simm.s32 $execute0_lowered;
	[smem:$0x3FD2] =	sst s25  }
0xa6: {  	s5 =	sshll.u32 s26, $0x1;
	_ =	strace $0x80000046;
	[dreg:$0x1] =	wrdreg $0xFFFFFFFF  }
0xa7: {  	s28 =	simm.s32 $_size_execute0_lowered;
	s3 =	sadd.s32 s3, s5;
	[dreg:$0x0] =	wrdreg $0x0  }
0xa8: {  	s5 =	sshll.u32 s28, $0x1;
	[dreg:$0x2] =	wrdreg s3  }
0xa9: {  	[dreg:$0x3] =	wrdreg s5  }
0xaa: {  	[dreg:$0x4] =	wrdreg $0xC0  }
0xab: {  	_ =	task [dreg:s7], $0x5FFFF  }
0xac: {  	[dreg:$0x1] =	wrdreg $0xFFFFFFFF  }
0xad: {  	[dreg:$0x0] =	wrdreg $0x60  }
0xae: {  	[dreg:$0x2] =	wrdreg s2  }
0xaf: {  	[dreg:$0x3] =	wrdreg s24  }
0xb0: {  	[dreg:$0x4] =	wrdreg $0x29000  }
0xb1: {  	[dreg:$0x5] =	wrdreg $0x9  }
0xb2: {  	_ =	task.clear_ibuf [dreg:s7], $0x6FFFF;
	_ =	strace $0x90000046  }
0xb3: {  	s29 =	simm.s32 $0x9;
	_ =	strace $0x80000048  }
0xb4: {  	_ =	swait.ge [sflag:s29], $0x1  }
0xb5: {  	[sflag:s29] =	ssyncadd.s32 $0xFFFFFFFF  }
0xb6: {  	_ =	strace $0x90000048  }
0xb7: {  	_ =	sfence  }
0xb8: {  	s30 =	sld [smem:$0x0];
	_ =	sdelay $0x2  }
0xb9: {  	s31 =	sshll.u32 s1, $0xD;
	s1 =	sshrl.u32 s1, $0x2  }
0xba: {  	s3 =	sand.u32 $0x4000, s31;
	s1 =	sadd.s32 s1, s30  }
0xbb: {  	s0 =	sor.u32 s3, s0;
	s1 =	sshll.u32 s1, $0x11  }
0xbc: {  	s0 =	sor.u32 s1, s0  }
0xbd: {  	s0 =	sadd.s32 $0x8F2B, s0  }
0xbe: {  	[sflag:s0] =	ssyncadd.remote.s32 $0x1  }
0xbf: {  	_ =	sfence.sel $0xFFFF  }
0xc0: {  	[dreg:$0x0] =	wrdreg $0xFFFFFFFF;
	(pc) =	sbr.abs _section_cstart, $3  }
0xc1: {  	[dreg:$0x1] =	wrdreg $0xFFFFFFFF  }
0xc2: {  	_ =	task.clear_ibuf [dreg:s7], $0x2FFFF;
	_ =	strace $0x9FFFFFFF  }
0xc3: {  	(tm) =	ssettm $0x7FFFFFFF  }
tec
execute0_lowered:
.L_overlay_start_1:
0x0: {  	(tag) =	ssettag $0x1  }
0x1: {  	s6 =	rddreg [dreg:$0x0]  }
0x2: {  	s1 =	srdreg.scid;
	s7 =	rddreg [dreg:$0x1]  }
0x3: {  	s0 =	stileid.u32;
	s3 =	rddreg [dreg:$0x2];
	s4 =	simm.s32 $0x0  }
0x4: {  	s15 =	simm.s32 $0x1;
	s16 =	simm.s32 $0x800;
	s17 =	simm.s32 $0x1000  }
0x5: {  	s19 =	simm.s32 $0x2800;
	s20 =	simm.s32 $0x2880;
	s21 =	simm.s32 $0x1A00  }
0x6: {  	s22 =	simm.s32 $0x2200;
	s23 =	simm.s32 $0x0;
	s5 =	sand.u32 $0x1, s1  }
0x7: {  	s1 =	sshrl.u32 s0, $0x2;
	s9 =	sand.u32 $0x3, s0;
	[smem:$0x7FF] =	sst s4  }
0x8: {  	s2 =	sshll.u32 s5, $0x2;
	s10 =	smul.u32 $0x600, s9;
	s5 =	ssub.s32 $0x2, s5  }
0x9: {  	s18 =	sshll.u32 s9, $0x7;
	s2 =	sor.u32 s1, s2;
	s31 =	sshrl.u32 s5, $0x1  }
0xa: {  	s8 =	smul.u32 $0x1800, s2;
	s11 =	ssub.s32 s5, s31;
	s5 =	sshll.u32 s9, $0x9  }
0xb: {  	_ =	strace $0x80000047;
	s18 =	sshrl.u32 s18, $0x2;
	s9 =	sadd.s32 $0x1A00, s5  }
0xc: {  	s11 =	smax.u32 s11, $0x1;
	s12 =	sor.u32 $0x40, s5;
	s10 =	sadd.s32 s10, s8  }
0xd: {  	s13 =	sor.u32 $0x840, s5;
	s8 =	sshrl.u32 s8, $0x3;
	s10 =	sshrl.u32 s10, $0x3  }
0xe: {  	v0 =	vimm.f32 $1.000000000e+10;
	v2 =	vimm.f32 $0.0e+00;
	vm0 =	vcmask $0x300;
	s14 =	sor.u32 $0x1040, s5;
	s6 =	sadd.s32 s6, s8;
	s10 =	sadd.s32 s10, s7  }
0xf: {  	v1 =	vimm.s32 $0x0;
	v3 =	vlaneseq.u32;
	v2 =	vsel vm0, $0x3F800000, v2;
	s7 =	sadd.s32 $0x100, s6;
	s8 =	sadd.s32 $0x200, s6;
	s10 =	sadd.s32 $0x1200, s10  }
.LBB2_1:
0x10: {  	[tilespmem:s4], [sflag:$0x1] =	stream.linear.gather [hbm4b:s6+s4], $0x800, $0x38;
	[tilespmem:$0x2940] =	vst v63  }
0x11: {  	_ =	swait.ge [sflag:s15], $0x800  }
0x12: {  	[sflag:s15] =	ssyncset.done $0x0  }
0x13: {  	[sflag:s15] =	ssyncadd.s32 $0xFFFFF800  }
0x14: {  	[tilespmem:s16], [sflag:$0x1] =	stream.linear.gather [hbm4b:s7+s4], $0x800, $0x38;
	[tilespmem:$0x2940] =	vst v63  }
0x15: {  	_ =	swait.ge [sflag:s15], $0x800  }
0x16: {  	[sflag:s15] =	ssyncset.done $0x0  }
0x17: {  	[sflag:s15] =	ssyncadd.s32 $0xFFFFF800  }
0x18: {  	[tilespmem:s17], [sflag:$0x1] =	stream.linear.gather [hbm4b:s8+s4], $0x800, $0x38;
	[tilespmem:$0x2940] =	vst v63  }
0x19: {  	_ =	swait.ge [sflag:s15], $0x800  }
0x1a: {  	[sflag:s15] =	ssyncset.done $0x0  }
0x1b: {  	s24 =	simm.s32 $0x1840;
	[sflag:s15] =	ssyncadd.s32 $0xFFFFF800  }
0x1c: {  	[tilespmem:s24+$0xFFFFFFC0] =	vst v0  }
0x1d: {  	[tilespmem:s24+$0x30] =	vst v0  }
0x1e: {  	[tilespmem:s24+$0x20] =	vst v0  }
0x1f: {  	[tilespmem:s24+$0x10] =	vst v0  }
0x20: {  	[tilespmem:s24+$0x0] =	vst v0  }
0x21: {  	[tilespmem:s24+$0xFFFFFFF0] =	vst v0  }
0x22: {  	s25 =	simm.s32 $0x0;
	[tilespmem:s24+$0xFFFFFFE0] =	vst v0  }
.LBB2_2:
0x23: {  	s25 =	sadd.s32 $0x80, s25;
	[tilespmem:s24+$0xFFFFFFD0] =	vst v0;
	s24 =	sadd.s32 $0x80, s24  }
0x24: {  	[tilespmem:s24+$0xFFFFFFC0] =	vst v0;
	p0 =	slt.u32 s25, $0x180  }
0x25: {  	[tilespmem:s24+$0x30] =	vst v0  }
.Ltmp0:
0x26: {  	[tilespmem:s24+$0x20] =	vst v0;
	(pc) =	sbr.rel @p0 .LBB2_2-.Ltmp0, $4  }
0x27: {  	[tilespmem:s24+$0x10] =	vst v0  }
0x28: {  	[tilespmem:s24+$0x0] =	vst v0  }
0x29: {  	[tilespmem:s24+$0xFFFFFFF0] =	vst v0  }
0x2a: {  	[tilespmem:s24+$0xFFFFFFE0] =	vst v0  }
0x2b: {  	[tilespmem:s24+$0xFFFFFFD0] =	vst v0  }
0x2c: {  	v4 =	vld [tilespmem:$0x0]  }
0x2d: {  	v5 =	vld [tilespmem:$0x800]  }
0x2e: {  	v6 =	vld [tilespmem:$0x1000];
	_ =	sdelay $0x2  }
0x2f: {  	v4 =	vmul.f32 v2, v4  }
0x30: {  	v5 =	vmul.f32 v2, v5  }
0x31: {  	(xrf2) =	vadd.scan.msk.f32 $0xffff, v4;
	v4 =	vmul.f32 v2, v6  }
0x32: {  	(xrf2) =	vadd.scan.msk.f32 $0xffff, v5  }
0x33: {  	(xrf2) =	vadd.scan.msk.f32 $0xffff, v4;
	_ =	sdelay $0x7  }
0x34: {  	v4, _, _ =	vpop (xrf2)  }
0x35: {  	v5, _, _ =	vpop (xrf2)  }
0x36: {  	v4 =	vbroadcast v4, $0xF;
	v6, _, _ =	vpop (xrf2)  }
0x37: {  	s24 =	simm.s32 $0x1;
	[tilespmem:$0x1A00] =	vst v1;
	v5 =	vbroadcast v5, $0xF;
	v6 =	vbroadcast v6, $0xF  }
.LBB2_4:
0x38: {  	v7 =	vld [tilespmem:s13+$0x30]  }
0x39: {  	v8 =	vld [tilespmem:s13+$0x20]  }
0x3a: {  	v9 =	vld [tilespmem:s12+$0x30]  }
0x3b: {  	v10 =	vld [tilespmem:s14+$0x30]  }
0x3c: {  	v11 =	vld [tilespmem:s13+$0x10]  }
0x3d: {  	v12 =	vld [tilespmem:s12+$0x20]  }
0x3e: {  	v13 =	vld [tilespmem:s14+$0x20]  }
0x3f: {  	v14 =	vld [tilespmem:s13+$0x0]  }
0x40: {  	v15 =	vld [tilespmem:s12+$0x10]  }
0x41: {  	v16 =	vld [tilespmem:s14+$0x10]  }
0x42: {  	v17 =	vld [tilespmem:s13+$0xFFFFFFF0]  }
0x43: {  	v18 =	vld [tilespmem:s12+$0x0]  }
0x44: {  	v19 =	vld [tilespmem:s14+$0x0]  }
0x45: {  	v22 =	vld [tilespmem:s13+$0xFFFFFFE0];
	v20 =	vsub.f32 v8, v5  }
0x46: {  	v26 =	vimm.f32 $-1.000000000e+00;
	s25 =	sadd.s32 $0xFFFFFF80, s5;
	v31 =	vld [tilespmem:s13+$0xFFFFFFC0];
	v21 =	vsub.f32 v7, v5;
	v23 =	vsub.f32 v9, v4  }
0x47: {  	v29 =	vimm.s32 $0x0;
	v34 =	vld [tilespmem:s12+$0xFFFFFFC0];
	s2 =	sadd.s32 $0x80, s25;
	v24 =	vsub.f32 v11, v5;
	v25 =	vsub.f32 v10, v6  }
0x48: {  	v40 =	vld [tilespmem:s12+$0xFFFFFFD0];
	s26 =	sadd.s32 $0xC0, s25;
	v37 =	vor.u32 s2, v3;
	v27 =	vsub.f32 v12, v4;
	v28 =	vsub.f32 v13, v6  }
0x49: {  	s28 =	sadd.s32 $0xB0, s25;
	v9 =	vld [tilespmem:s12+$0xFFFFFFF0];
	v7 =	vor.u32 s26, v3;
	v30 =	vsub.f32 v14, v5;
	v32 =	vsub.f32 v17, v5  }
0x4a: {  	v11 =	vld [tilespmem:s13+$0xFFFFFFD0];
	v8 =	vor.u32 s28, v3;
	v33 =	vsub.f32 v16, v6;
	v35 =	vsub.f32 v18, v4  }
0x4b: {  	v12 =	vld [tilespmem:s12+$0xFFFFFFE0];
	v36 =	vsub.f32 v19, v6;
	v38 =	vsub.f32 v22, v5;
	v13 =	vmul.f32 v25, v25  }
0x4c: {  	v19 =	vld [tilespmem:s14+$0xFFFFFFC0];
	v25 =	vsub.f32 v31, v5;
	v16 =	vmul.f32 v24, v24;
	v17 =	vmul.f32 v27, v27  }
0x4d: {  	v42 =	vld [tilespmem:s14+$0xFFFFFFD0];
	v27 =	vsub.f32 v34, v4;
	v18 =	vmul.f32 v28, v28;
	v22 =	vmul.f32 v33, v33  }
0x4e: {  	s0 =	sadd.s32 $0xA0, s25;
	v15 =	vsub.f32 v15, v4;
	v31 =	vld [tilespmem:s14+$0xFFFFFFE0];
	v24 =	vmul.f32 v35, v35;
	v59 =	vmul.f32 v38, v38  }
0x4f: {  	v10 =	vor.u32 s0, v3;
	v28 =	vld [tilespmem:s14+$0xFFFFFFF0];
	v27 =	vmul.f32 v27, v27;
	v25 =	vmul.f32 v25, v25  }
0x50: {  	v39 =	vsub.f32 v9, v4;
	v41 =	vsub.f32 v11, v5;
	v11 =	vmul.f32 v20, v20  }
0x51: {  	v9 =	vmul.f32 v21, v21;
	v43 =	vsub.f32 v12, v4;
	v19 =	vsub.f32 v19, v6  }
0x52: {  	v20 =	vmul.f32 v30, v30;
	v21 =	vmul.f32 v15, v15;
	v30 =	vsub.f32 v42, v6  }
0x53: {  	s26 =	simm.s32 $0x1840;
	v15 =	vsub.f32 v40, v4;
	v19 =	vmul.f32 v19, v19;
	v31 =	vsub.f32 v31, v6  }
0x54: {  	v58 =	vld [tilespmem:s26+$0xFFFFFFC0];
	v30 =	vmul.f32 v30, v30;
	v61 =	vmul.f32 v43, v43;
	v28 =	vsub.f32 v28, v6  }
0x55: {  	s28 =	sadd.s32 $0x90, s25;
	v60 =	vld [tilespmem:s26+$0xFFFFFFD0];
	v62 =	vmul.f32 v41, v41;
	v19 =	vadd.f32 v19, v27;
	v27 =	vmul.f32 v15, v15  }
0x56: {  	v14 =	vor.u32 s28, v3;
	v63 =	vmul.f32 v39, v39;
	v15 =	vld [tilespmem:s26+$0x30];
	v31 =	vmul.f32 v31, v31  }
0x57: {  	v28 =	vmul.f32 v28, v28;
	v25 =	vadd.f32 v25, v19;
	v30 =	vadd.f32 v30, v27;
	v19 =	vld [tilespmem:s26+$0x20]  }
0x58: {  	v12 =	vmul.f32 v23, v23;
	v23 =	vmul.f32 v32, v32;
	v31 =	vadd.f32 v31, v61;
	v27 =	vld [tilespmem:s26+$0xFFFFFFE0]  }
0x59: {  	v33 =	vadd.f32 v28, v63;
	v28 =	vld [tilespmem:s26+$0xFFFFFFF0];
	v32 =	vmin.f32 v58, v25;
	v38 =	vadd.f32 v62, v30  }
0x5a: {  	s29 =	sadd.s32 $0x80, s13;
	v30 =	vmul.f32 v36, v36;
	v25 =	vld [tilespmem:s26+$0x10];
	v31 =	vadd.f32 v59, v31;
	vm0 =	vgt.f32 v32, v26  }
0x5b: {  	s30 =	smov.u32 s12;
	s31 =	smov.u32 s14;
	s28 =	simm.s32 $0x0;
	[tilespmem:s26+$0xFFFFFFC0] =	vst v32;
	v34 =	vsel vm0, v32, v26;
	v32 =	vsel vm0, v37, v29;
	v29 =	vmin.f32 v60, v38;
	v26 =	vld [tilespmem:s26+$0x0]  }
.LBB2_5:
0x5c: {  	v35 =	vld [tilespmem:s29+$0x30];
	[tilespmem:s26+$0xFFFFFFD0] =	vst v29;
	vm0 =	vgt.f32 v29, v34;
	v23 =	vadd.f32 v23, v33;
	v24 =	vadd.f32 v30, v24  }
0x5d: {  	s30 =	sadd.s32 $0x80, s30;
	v30 =	vld [tilespmem:s29+$0x20];
	v29 =	vsel vm0, v29, v34;
	v14 =	vsel vm0, v14, v32;
	v27 =	vmin.f32 v27, v31  }
0x5e: {  	v21 =	vadd.f32 v22, v21;
	s31 =	sadd.s32 $0x80, s31;
	v31 =	vld [tilespmem:s30+$0x30];
	[tilespmem:s26+$0xFFFFFFE0] =	vst v27;
	vm0 =	vgt.f32 v27, v29;
	v20 =	vadd.f32 v20, v24  }
0x5f: {  	v22 =	vld [tilespmem:s31+$0x30];
	v24 =	vsel vm0, v27, v29;
	v10 =	vsel vm0, v10, v14;
	v14 =	vmin.f32 v28, v23  }
0x60: {  	v17 =	vadd.f32 v18, v17;
	v16 =	vadd.f32 v16, v21;
	v23 =	vld [tilespmem:s29+$0x10];
	[tilespmem:s26+$0xFFFFFFF0] =	vst v14;
	vm0 =	vgt.f32 v14, v24  }
0x61: {  	v18 =	vld [tilespmem:s30+$0x20];
	v14 =	vsel vm0, v14, v24;
	v8 =	vsel vm0, v8, v10;
	v10 =	vmin.f32 v26, v20  }
0x62: {  	v12 =	vadd.f32 v13, v12;
	v11 =	vadd.f32 v11, v17;
	v20 =	vld [tilespmem:s31+$0x20];
	[tilespmem:s26+$0x0] =	vst v10;
	vm0 =	vgt.f32 v10, v14  }
0x63: {  	s2 =	sadd.s32 $0xD0, s25;
	v13 =	vld [tilespmem:s29+$0x0];
	v10 =	vsel vm0, v10, v14;
	v7 =	vsel vm0, v7, v8;
	v8 =	vmin.f32 v25, v16  }
0x64: {  	v9 =	vadd.f32 v9, v12;
	v16 =	vor.u32 s2, v3;
	v14 =	vld [tilespmem:s30+$0x10];
	[tilespmem:s26+$0x10] =	vst v8;
	vm0 =	vgt.f32 v8, v10  }
0x65: {  	s2 =	sadd.s32 $0xE0, s25;
	s25 =	sadd.s32 $0xF0, s25;
	v12 =	vld [tilespmem:s31+$0x10];
	v8 =	vsel vm0, v8, v10;
	v7 =	vsel vm0, v16, v7;
	v10 =	vmin.f32 v19, v11  }
0x66: {  	v17 =	vor.u32 s25, v3;
	v16 =	vor.u32 s2, v3;
	v11 =	vld [tilespmem:s29+$0xFFFFFFF0];
	[tilespmem:s26+$0x20] =	vst v10;
	vm0 =	vgt.f32 v10, v8  }
0x67: {  	v9 =	vmin.f32 v15, v9;
	v19 =	vld [tilespmem:s30+$0x0];
	v8 =	vsel vm0, v10, v8;
	v7 =	vsel vm0, v16, v7  }
0x68: {  	v21 =	vsub.f32 v35, v5;
	v16 =	vsub.f32 v30, v5;
	v15 =	vld [tilespmem:s31+$0x0];
	[tilespmem:s26+$0x30] =	vst v9;
	vm0 =	vgt.f32 v9, v8  }
0x69: {  	v25 =	vsub.f32 v31, v4;
	s25 =	sadd.s32 s28, s5;
	v24 =	vld [tilespmem:s29+$0xFFFFFFE0];
	v26 =	vsel vm0, v9, v8;
	v29 =	vsel vm0, v17, v7  }
0x6a: {  	v22 =	vsub.f32 v22, v6;
	s2 =	sadd.s32 $0xC0, s25;
	v17 =	vsub.f32 v23, v5;
	v9 =	vld [tilespmem:s30+$0xFFFFFFF0]  }
0x6b: {  	s0 =	sadd.s32 $0xB0, s25;
	v18 =	vsub.f32 v18, v4;
	v27 =	vsub.f32 v20, v6;
	v7 =	vor.u32 s2, v3;
	v23 =	vld [tilespmem:s29+$0xFFFFFFD0]  }
0x6c: {  	v28 =	vsub.f32 v13, v5;
	s2 =	sadd.s32 $0xA0, s25;
	v8 =	vor.u32 s0, v3;
	v30 =	vsub.f32 v14, v4;
	v20 =	vld [tilespmem:s30+$0xFFFFFFE0]  }
0x6d: {  	s0 =	sadd.s32 $0x90, s25;
	v10 =	vor.u32 s2, v3;
	v33 =	vsub.f32 v12, v6;
	v32 =	vsub.f32 v11, v5;
	v31 =	vld [tilespmem:s29+$0xFFFFFFC0]  }
0x6e: {  	s2 =	sadd.s32 $0x80, s25;
	v14 =	vor.u32 s0, v3;
	v19 =	vsub.f32 v19, v4;
	v35 =	vsub.f32 v15, v6;
	v34 =	vld [tilespmem:s30+$0xFFFFFFC0]  }
0x6f: {  	s28 =	sadd.s32 $0x80, s28;
	v36 =	vor.u32 s2, v3;
	v37 =	vsub.f32 v24, v5;
	v15 =	vld [tilespmem:s31+$0xFFFFFFC0];
	v38 =	vsub.f32 v9, v4  }
0x70: {  	p0 =	slt.u32 s28, $0x180;
	v11 =	vmul.f32 v16, v16;
	v9 =	vmul.f32 v21, v21;
	v24 =	vld [tilespmem:s30+$0xFFFFFFD0];
	v39 =	vsub.f32 v23, v5  }
0x71: {  	v13 =	vmul.f32 v22, v22;
	v12 =	vmul.f32 v25, v25;
	v40 =	vld [tilespmem:s31+$0xFFFFFFD0];
	v41 =	vsub.f32 v20, v4  }
0x72: {  	v16 =	vmul.f32 v17, v17;
	v17 =	vmul.f32 v18, v18;
	v25 =	vsub.f32 v31, v5;
	v31 =	vld [tilespmem:s31+$0xFFFFFFE0]  }
0x73: {  	v18 =	vmul.f32 v27, v27;
	v20 =	vmul.f32 v28, v28;
	v34 =	vsub.f32 v34, v4  }
0x74: {  	v22 =	vmul.f32 v33, v33;
	v21 =	vmul.f32 v30, v30;
	v15 =	vsub.f32 v15, v6;
	v27 =	vld [tilespmem:s31+$0xFFFFFFF0]  }
0x75: {  	v23 =	vmul.f32 v32, v32;
	v28 =	vsub.f32 v24, v4;
	v24 =	vmul.f32 v19, v19  }
0x76: {  	s26 =	sadd.s32 $0x80, s26;
	v19 =	vmul.f32 v34, v34;
	v15 =	vmul.f32 v15, v15;
	v30 =	vsub.f32 v40, v6  }
0x77: {  	v33 =	vmul.f32 v37, v37;
	v25 =	vmul.f32 v25, v25;
	v32 =	vld [tilespmem:s26+$0xFFFFFFC0];
	v31 =	vsub.f32 v31, v6  }
0x78: {  	v28 =	vmul.f32 v28, v28;
	v19 =	vadd.f32 v15, v19;
	v30 =	vmul.f32 v30, v30;
	v15 =	vld [tilespmem:s26+$0x30]  }
0x79: {  	v34 =	vmul.f32 v41, v41;
	v37 =	vld [tilespmem:s26+$0xFFFFFFD0];
	v31 =	vmul.f32 v31, v31;
	v40 =	vsub.f32 v27, v6  }
.Ltmp1:
0x7a: {  	v25 =	vadd.f32 v25, v19;
	v28 =	vadd.f32 v30, v28;
	v30 =	vmul.f32 v39, v39;
	v19 =	vld [tilespmem:s26+$0x20];
	(pc) =	sbr.rel @p0 .LBB2_5-.Ltmp1, $4  }
0x7b: {  	v31 =	vadd.f32 v31, v34;
	v27 =	vld [tilespmem:s26+$0xFFFFFFE0];
	v34 =	vmul.f32 v38, v38;
	v38 =	vmul.f32 v40, v40  }
0x7c: {  	v32 =	vmin.f32 v32, v25;
	v39 =	vadd.f32 v30, v28;
	v30 =	vmul.f32 v35, v35;
	v25 =	vld [tilespmem:s26+$0x10]  }
0x7d: {  	[tilespmem:s26+$0xFFFFFFC0] =	vst v32;
	vm0 =	vgt.f32 v32, v26;
	v31 =	vadd.f32 v33, v31;
	v33 =	vadd.f32 v38, v34;
	v28 =	vld [tilespmem:s26+$0xFFFFFFF0]  }
0x7e: {  	s29 =	sadd.s32 $0x80, s29;
	v34 =	vsel vm0, v32, v26;
	v32 =	vsel vm0, v36, v29;
	v29 =	vmin.f32 v37, v39;
	v26 =	vld [tilespmem:s26+$0x0]  }
0x7f: {  	vm0 =	vgt.f32 v29, v34;
	v4 =	vadd.f32 v30, v24  }
0x80: {  	v5 =	vadd.f32 v23, v33;
	v6 =	vsel vm0, v29, v34;
	v55 =	vmin.f32 v27, v31  }
0x81: {  	v56 =	vadd.f32 v22, v21;
	vm1 =	vgt.f32 v55, v6  }
0x82: {  	v4 =	vadd.f32 v20, v4;
	v6 =	vsel vm1, v55, v6;
	v5 =	vmin.f32 v28, v5  }
0x83: {  	v17 =	vadd.f32 v18, v17;
	vm8 =	vgt.f32 v5, v6  }
0x84: {  	v16 =	vadd.f32 v16, v56;
	v4 =	vmin.f32 v26, v4;
	v6 =	vsel vm8, v5, v6  }
0x85: {  	v12 =	vadd.f32 v13, v12;
	v11 =	vadd.f32 v11, v17;
	vm9 =	vgt.f32 v4, v6  }
0x86: {  	[tilespmem:s26+$0xFFFFFFD0] =	vst v29;
	v14 =	vsel vm0, v14, v32;
	v57 =	vmin.f32 v25, v16;
	v6 =	vsel vm9, v4, v6  }
0x87: {  	[tilespmem:s26+$0xFFFFFFE0] =	vst v55;
	v10 =	vsel vm1, v10, v14;
	v58 =	vmin.f32 v19, v11;
	vm10 =	vgt.f32 v57, v6  }
0x88: {  	[tilespmem:s26+$0xFFFFFFF0] =	vst v5;
	v8 =	vsel vm8, v8, v10;
	v5 =	vadd.f32 v9, v12;
	v6 =	vsel vm10, v57, v6  }
0x89: {  	s0 =	sadd.s32 $0xD0, s25;
	s2 =	sshll.u32 s24, $0x2;
	[tilespmem:s26+$0x0] =	vst v4;
	v4 =	vsel vm9, v7, v8;
	vm11 =	vgt.f32 v58, v6  }
0x8a: {  	s31 =	sadd.s32 $0xE0, s25;
	s2 =	sand.u32 $0x4, s2;
	[tilespmem:s26+$0x10] =	vst v57;
	v7 =	vor.u32 s0, v3;
	v5 =	vmin.f32 v15, v5;
	v6 =	vsel vm11, v58, v6  }
0x8b: {  	s28 =	sadd.s32 $0xF0, s25;
	s2 =	sor.u32 s1, s2;
	[tilespmem:s26+$0x20] =	vst v58;
	v8 =	vor.u32 s31, v3;
	v4 =	vsel vm10, v7, v4;
	vm12 =	vgt.f32 v5, v6  }
0x8c: {  	s29 =	sshll.u32 s2, $0x7;
	[tilespmem:s26+$0x30] =	vst v5;
	v7 =	vor.u32 s28, v3;
	v4 =	vsel vm11, v8, v4;
	v5 =	vsel vm12, v5, v6  }
0x8d: {  	s0 =	sadd.s32 s29, s3;
	v4 =	vsel vm12, v7, v4;
	[tilespmem:$0x2800] =	vst v5  }
0x8e: {  	s30 =	sadd.s32 s18, s0;
	[tilespmem:$0x2810] =	vst v4  }
0x8f: {  	[spmem:s30] =	stream.linear.scatter [tilespmem:s19], [sflag:$0x1], $0x20, $0x38;
	[tilespmem:$0x2940] =	vst v63  }
0x90: {  	_ =	swait.ge [sflag:s15], $0x20  }
0x91: {  	[sflag:s15] =	ssyncset.done $0x0  }
0x92: {  	[sflag:s15] =	ssyncadd.s32 $0xFFFFFFE0  }
0x93: {  	[bflag:$0x0] =	sbarrier.arrive $0xFFFF  }
0x94: {  	[tilespmem:s20], [sflag:$0x1] =	stream.linear.gather [spmem:s0], $0x80, $0x38;
	[tilespmem:$0x2940] =	vst v63  }
0x95: {  	_ =	swait.ge [sflag:s15], $0x80  }
0x96: {  	[sflag:s15] =	ssyncset.done $0x0  }
0x97: {  	[sflag:s15] =	ssyncadd.s32 $0xFFFFFF80  }
0x98: {  	v4 =	vld [tilespmem:$0x2880]  }
0x99: {  	v5 =	vld [tilespmem:$0x28A0]  }
0x9a: {  	v6 =	vld [tilespmem:$0x28C0]  }
0x9b: {  	v7 =	vld [tilespmem:$0x28E0];
	_ =	sdelay $0x4  }
0x9c: {  	v8 =	vmax.f32 v4, v5;
	v59 =	vmax.f32 v6, v7  }
0x9d: {  	v8 =	vmax.f32 v8, v59  }
0x9e: {  	(xrf0) =	vmax.scan.msk.f32 $0xffff, v8;
	_ =	sdelay $0x2  }
0x9f: {  	v60 =	vld [tilespmem:$0x28B0]  }
0xa0: {  	v61 =	vld [tilespmem:$0x28D0]  }
0xa1: {  	v8 =	vld [tilespmem:$0x2890]  }
0xa2: {  	v63 =	vld [tilespmem:$0x28F0];
	v62, _, _ =	vpop (xrf0)  }
0xa3: {  	v11 =	vbroadcast v62, $0xF;
	_ =	sdelay $0x1  }
0xa4: {  	vm13 =	veq.f32 v4, v11;
	vm14 =	veq.f32 v5, v11  }
0xa5: {  	vm15 =	veq.f32 v6, v11;
	vm2 =	veq.f32 v7, v11;
	v4 =	vnsel vm13, $0x40000000, v8  }
0xa6: {  	v5 =	vnsel vm14, $0x40000000, v60;
	v6 =	vnsel vm15, $0x40000000, v61;
	v7 =	vnsel vm2, $0x40000000, v63  }
0xa7: {  	vm0 =	vlt.s32 v4, v5;
	vm1 =	vlt.s32 v6, v7  }
0xa8: {  	v4 =	vsel vm0, v4, v5;
	v5 =	vsel vm1, v6, v7  }
0xa9: {  	vm0 =	vlt.s32 v4, v5  }
0xaa: {  	v4 =	vsel vm0, v4, v5  }
0xab: {  	v4 =	vxor.u32 $0x80000000, v4  }
0xac: {  	(xrf0) =	vmin.scan.msk.u32 $0xffff, v4;
	_ =	sdelay $0x5  }
0xad: {  	v4, _, _ =	vpop (xrf0)  }
0xae: {  	(v2sf) =	vpush v4, $0xF;
	_ =	sdelay $0xe  }
0xaf: {  	s31 =	spop (v2sf)  }
0xb0: {  	v4 =	vmov s24;
	s0 =	sxor.u32 $0x80000000, s31  }
0xb1: {  	v6 =	vmov s0  }
0xb2: {  	s24 =	sadd.s32 $0x1, s24  }
0xb3: {  	p0 =	sne.s32 s24, $0x800  }
.Ltmp2:
0xb4: {  	_ = 	snop;
	(pc) =	sbr.rel @p0 .LBB2_4-.Ltmp2, $4  }
0xb5: {  	[tilespmem:v4+s21+$0x0] =	vst.idx.msk $0x1, v6  }
0xb6: {  	v4 =	vld.idx.msk [tilespmem:v6+s4+$0x0], $0xffff  }
0xb7: {  	v5 =	vld.idx.msk [tilespmem:v6+s16+$0x0], $0xffff  }
0xb8: {  	v6 =	vld.idx.msk [tilespmem:v6+s17+$0x0], $0xffff  }
0xb9: {  	s0 =	simm.s32 $0x0  }
0xba: {  	s25 =	simm.s32 $0x10;
	s2 =	sand.u32 $0x180, s0  }
0xbb: {  	s24 =	sand.u32 $0x50, s25;
	s2 =	sadd.s32 s2, s9  }
0xbc: {  	s26 =	sand.u32 $0x40, s0;
	s24 =	sadd.s32 s24, s2  }
0xbd: {  	s26 =	sadd.s32 s26, s2;
	v6 =	vld [tilespmem:s24+$0x0]  }
0xbe: {  	v5 =	vld [tilespmem:s26+$0x0];
	_ =	sdelay $0x1  }
0xbf: {  	v7 =	vmov s25;
	s26 =	simm.s32 $0x20  }
0xc0: {  	p2 =	por $0x1, $0x1;
	v4 =	vmov s0;
	v7 =	vmul.u32 $0x3, v7;
	s24 =	simm.s32 $0x30;
	s28 =	sand.u32 $0x60, s26;
	v8 =	vmov s26  }
.Ltmp3:
0xc1: {  	v4 =	vmul.u32 $0x3, v4;
	s30 =	sand.u32 $0x70, s24;
	s29 =	sadd.s32 s28, s2;
	v9 =	vmul.u32 $0x3, v8;
	(pc) =	sbr.rel @!p2 .LBB2_8-.Ltmp3, $4  }
0xc2: {  	v12 =	vbroadcast v7, $0x0;
	s31 =	sadd.s32 s30, s2;
	v26 =	vld [tilespmem:s29+$0x0]  }
0xc3: {  	v8 =	vbroadcast v4, $0x0;
	v4 =	vmul.u32 $0x3, v3;
	v20 =	vld [tilespmem:s31+$0x0];
	v9 =	vbroadcast v9, $0x0  }
0xc4: {  	v21 =	vld.idx.msk [tilespmem:v6+s4+$0x0], $0xffff  }
0xc5: {  	p0 =	por $0x0, $0x0;
	p1 =	por $0x0, $0x0;
	s25 =	simm.s32 $0x70;
	v7 =	vor.u32 v4, v8;
	v23 =	vadd.s32 v4, v12;
	v16 =	vadd.s32 v4, v9;
	v18 =	vld.idx.msk [tilespmem:v5+s4+$0x0], $0xffff  }
0xc6: {  	_ =	sdelay $0x1  }
0xc7: {  	s0 =	simm.s32 $0x40  }
0xc8: {  	s26 =	simm.s32 $0x50;
	s2 =	sand.u32 $0x180, s0  }
0xc9: {  	s28 =	sand.u32 $0x50, s26;
	s2 =	sadd.s32 s2, s9  }
0xca: {  	v10 =	vld.idx.msk [tilespmem:v26+s4+$0x0], $0xffff;
	s29 =	sand.u32 $0x40, s0;
	s28 =	sadd.s32 s28, s2  }
0xcb: {  	v11 =	vmov s0;
	s29 =	sadd.s32 s29, s2;
	v32 =	vld [tilespmem:s28+$0x0]  }
0xcc: {  	s30 =	simm.s32 $0x60;
	v14 =	vmul.u32 $0x3, v11;
	v11 =	vadd.s32 $0x1, v4;
	[tilespmem:v23+s22+$0x0] =	vst.idx.msk $0xffff, v21;
	v13 =	vld [tilespmem:s29+$0x0]  }
0xcd: {  	s31 =	sand.u32 $0x60, s30;
	v23 =	vadd.s32 v11, v12;
	v22 =	vld.idx.msk [tilespmem:v6+s16+$0x0], $0xffff  }
0xce: {  	v17 =	vmov s26;
	v30 =	vld.idx.msk [tilespmem:v20+s4+$0x0], $0xffff;
	s29 =	sadd.s32 s31, s2  }
0xcf: {  	v19 =	vmov s30;
	v17 =	vmul.u32 $0x3, v17;
	s31 =	sand.u32 $0x70, s25;
	[tilespmem:v7+s22+$0x0] =	vst.idx.msk $0xffff, v18;
	v18 =	vmov s24;
	v15 =	vld [tilespmem:s29+$0x0]  }
0xd0: {  	p2 =	por $0x1, $0x1;
	v31 =	vor.u32 v11, v8;
	v7 =	vmul.u32 $0x3, v19;
	s0 =	sadd.s32 s31, s2;
	v28 =	vld.idx.msk [tilespmem:v5+s16+$0x0], $0xffff;
	v18 =	vmul.u32 $0x3, v18  }
.Ltmp4:
0xd1: {  	v34 =	vbroadcast v14, $0x0;
	v36 =	vbroadcast v17, $0x0;
	v14 =	vld [tilespmem:s0+$0x0];
	[tilespmem:v16+s22+$0x0] =	vst.idx.msk $0xffff, v10;
	(pc) =	sbr.rel @!p2 .LBB2_10-.Ltmp4, $4  }
0xd2: {  	v19 =	vbroadcast v7, $0x0;
	v25 =	vld.idx.msk [tilespmem:v26+s16+$0x0], $0xffff;
	v29 =	vbroadcast v18, $0x0;
	[tilespmem:v23+s22+$0x0] =	vst.idx.msk $0xffff, v22  }
0xd3: {  	v24 =	vadd.s32 v11, v9;
	v7 =	vor.u32 v4, v34;
	v10 =	vadd.s32 $0x2, v4;
	v27 =	vld.idx.msk [tilespmem:v6+s17+$0x0], $0xffff  }
0xd4: {  	v16 =	vadd.s32 v4, v19;
	v33 =	vadd.s32 v4, v29;
	v23 =	vadd.s32 v4, v36;
	v21 =	vld.idx.msk [tilespmem:v32+s4+$0x0], $0xffff  }
0xd5: {  	p0 =	por $0x1, $0x1;
	s24 =	simm.s32 $0xB0;
	v22 =	vor.u32 v10, v8;
	[tilespmem:v31+s22+$0x0] =	vst.idx.msk $0xffff, v28;
	v31 =	vadd.s32 v10, v12;
	v18 =	vld.idx.msk [tilespmem:v13+s4+$0x0], $0xffff  }
0xd6: {  	_ =	sdelay $0x3  }
0xd7: {  	s0 =	simm.s32 $0x80;
	v12 =	vld.idx.msk [tilespmem:v15+s4+$0x0], $0xffff  }
0xd8: {  	v37 =	vld.idx.msk [tilespmem:v5+s17+$0x0], $0xffff;
	[tilespmem:v33+s22+$0x0] =	vst.idx.msk $0xffff, v30;
	s2 =	sand.u32 $0x180, s0  }
0xd9: {  	s28 =	simm.s32 $0x90;
	s26 =	sand.u32 $0x40, s0;
	v30 =	vld.idx.msk [tilespmem:v20+s16+$0x0], $0xffff;
	[tilespmem:v24+s22+$0x0] =	vst.idx.msk $0xffff, v25;
	s2 =	sadd.s32 s2, s9  }
0xda: {  	s29 =	sand.u32 $0x50, s28;
	v26 =	vld.idx.msk [tilespmem:v26+s17+$0x0], $0xffff;
	s26 =	sadd.s32 s26, s2  }
0xdb: {  	s29 =	sadd.s32 s29, s2;
	v5 =	vld [tilespmem:s26+$0x0]  }
0xdc: {  	s31 =	sand.u32 $0x70, s24;
	v24 =	vadd.s32 v11, v29;
	[tilespmem:v23+s22+$0x0] =	vst.idx.msk $0xffff, v21;
	s26 =	simm.s32 $0xA0;
	v6 =	vld [tilespmem:s29+$0x0]  }
0xdd: {  	v8 =	vmov s0;
	s0 =	sadd.s32 s31, s2;
	v23 =	vld.idx.msk [tilespmem:v32+s16+$0x0], $0xffff;
	s30 =	sand.u32 $0x60, s26  }
0xde: {  	[tilespmem:v7+s22+$0x0] =	vst.idx.msk $0xffff, v18;
	v28 =	vld [tilespmem:s0+$0x0];
	v18 =	vadd.s32 v11, v36;
	v25 =	vmov s26;
	s29 =	sadd.s32 s30, s2  }
0xdf: {  	v8 =	vmul.u32 $0x3, v8;
	[tilespmem:v31+s22+$0x0] =	vst.idx.msk $0xffff, v27;
	v7 =	vmul.u32 $0x3, v25;
	v25 =	vmov s25;
	v17 =	vld [tilespmem:s29+$0x0]  }
0xe0: {  	v21 =	vadd.s32 v10, v9;
	v9 =	vmov s28;
	v31 =	vld.idx.msk [tilespmem:v13+s16+$0x0], $0xffff;
	[tilespmem:v16+s22+$0x0] =	vst.idx.msk $0xffff, v12;
	v27 =	vmul.u32 $0x3, v25  }
0xe1: {  	v38 =	vor.u32 v11, v34;
	p2 =	por $0x1, $0x1;
	[tilespmem:v24+s22+$0x0] =	vst.idx.msk $0xffff, v30;
	v24 =	vmul.u32 $0x3, v9;
	v30 =	vld.idx.msk [tilespmem:v14+s4+$0x0], $0xffff  }
.Ltmp5:
0xe2: {  	v8 =	vbroadcast v8, $0x0;
	[tilespmem:v22+s22+$0x0] =	vst.idx.msk $0xffff, v37;
	v37 =	vadd.s32 v10, v29;
	v35 =	vld.idx.msk [tilespmem:v20+s17+$0x0], $0xffff;
	v20 =	vbroadcast v27, $0x0;
	(pc) =	sbr.rel @!p2 .LBB2_12-.Ltmp5, $4  }
0xe3: {  	v25 =	vld.idx.msk [tilespmem:v15+s16+$0x0], $0xffff;
	v9 =	vbroadcast v7, $0x0;
	v12 =	vbroadcast v24, $0x0;
	v24 =	vadd.s32 v11, v19;
	[tilespmem:v18+s22+$0x0] =	vst.idx.msk $0xffff, v23  }
0xe4: {  	v22 =	vor.u32 v10, v34;
	v7 =	vor.u32 v4, v8;
	v27 =	vld.idx.msk [tilespmem:v32+s17+$0x0], $0xffff;
	v33 =	vadd.s32 v4, v20  }
0xe5: {  	[tilespmem:v21+s22+$0x0] =	vst.idx.msk $0xffff, v26;
	v16 =	vadd.s32 v4, v9;
	v23 =	vadd.s32 v4, v12;
	v21 =	vld.idx.msk [tilespmem:v6+s4+$0x0], $0xffff  }
0xe6: {  	p1 =	por $0x1, $0x1;
	s25 =	simm.s32 $0xF0;
	[tilespmem:v38+s22+$0x0] =	vst.idx.msk $0xffff, v31;
	v31 =	vadd.s32 v10, v36;
	v32 =	vmov v4;
	v18 =	vld.idx.msk [tilespmem:v5+s4+$0x0], $0xffff  }
.LBB2_13:
0xe7: {  	s0 =	sadd.s32 $0xFFFFFFD0, s25;
	v26 =	vld.idx.msk [tilespmem:v17+s4+$0x0], $0xffff;
	v29 =	vadd.s32 v10, v19;
	[tilespmem:v37+s22+$0x0] =	vst.idx.msk $0xffff, v35;
	v34 =	vmov v8;
	v36 =	vmov v12  }
0xe8: {  	v19 =	vmov v9;
	s2 =	sand.u32 $0x180, s0;
	v8 =	vmov s0;
	p2 =	slt.u32 s0, $0x1C0;
	v35 =	vld.idx.msk [tilespmem:v13+s17+$0x0], $0xffff;
	[tilespmem:v24+s22+$0x0] =	vst.idx.msk $0xffff, v25;
	v13 =	vmov v5  }
0xe9: {  	s26 =	sadd.s32 $0xFFFFFFE0, s25;
	s0 =	sand.u32 $0x40, s0;
	s2 =	sadd.s32 s2, s9;
	v8 =	vmul.u32 $0x3, v8;
	v25 =	vld.idx.msk [tilespmem:v15+s17+$0x0], $0xffff;
	[tilespmem:v33+s22+$0x0] =	vst.idx.msk $0xffff, v30;
	v15 =	vmov v17  }
0xea: {  	s28 =	sand.u32 $0x50, s26;
	v9 =	vmov s26;
	s26 =	sadd.s32 $0xFFFFFFF0, s25;
	s0 =	sadd.s32 s0, s2;
	[tilespmem:v23+s22+$0x0] =	vst.idx.msk $0xffff, v21;
	v21 =	vadd.s32 v11, v20;
	v23 =	vld.idx.msk [tilespmem:v14+s16+$0x0], $0xffff  }
0xeb: {  	v9 =	vmul.u32 $0x3, v9;
	v5 =	vld [tilespmem:s0+$0x0];
	v8 =	vbroadcast v8, $0x0;
	s0 =	sadd.s32 s28, s2;
	s28 =	sand.u32 $0x60, s26;
	[tilespmem:v31+s22+$0x0] =	vst.idx.msk $0xffff, v27  }
0xec: {  	v11 =	vmov s26;
	v31 =	vld [tilespmem:s0+$0x0];
	s0 =	sadd.s32 s28, s2;
	[tilespmem:v7+s22+$0x0] =	vst.idx.msk $0xffff, v18  }
0xed: {  	v12 =	vbroadcast v9, $0x0;
	v9 =	vmul.u32 $0x3, v11;
	v7 =	vor.u32 v4, v8;
	v17 =	vld [tilespmem:s0+$0x0];
	s0 =	sand.u32 $0x70, s25  }
0xee: {  	v11 =	vadd.s32 $0x1, v32;
	v27 =	vmov s24;
	s24 =	smov.u32 s25;
	s0 =	sadd.s32 s0, s2;
	v18 =	vld.idx.msk [tilespmem:v6+s16+$0x0], $0xffff;
	[tilespmem:v22+s22+$0x0] =	vst.idx.msk $0xffff, v35  }
0xef: {  	v33 =	vadd.s32 v11, v36;
	v24 =	vadd.s32 v11, v19;
	v9 =	vbroadcast v9, $0x0;
	v22 =	vld [tilespmem:s0+$0x0];
	[tilespmem:v29+s22+$0x0] =	vst.idx.msk $0xffff, v25  }
0xf0: {  	v38 =	vor.u32 v11, v34;
	v27 =	vmul.u32 $0x3, v27;
	v29 =	vld.idx.msk [tilespmem:v13+s16+$0x0], $0xffff;
	[tilespmem:v21+s22+$0x0] =	vst.idx.msk $0xffff, v23  }
0xf1: {  	[tilespmem:v16+s22+$0x0] =	vst.idx.msk $0xffff, v26;
	v16 =	vadd.s32 v4, v9;
	v35 =	vld.idx.msk [tilespmem:v14+s17+$0x0], $0xffff;
	v14 =	vmov v28  }
.Ltmp6:
0xf2: {  	v37 =	vadd.s32 v10, v20;
	v20 =	vbroadcast v27, $0x0;
	v25 =	vld.idx.msk [tilespmem:v15+s16+$0x0], $0xffff;
	(pc) =	sbr.rel @p2 .LBB2_13-.Ltmp6, $4  }
0xf3: {  	v30 =	vld.idx.msk [tilespmem:v28+s4+$0x0], $0xffff  }
0xf4: {  	v21 =	vld.idx.msk [tilespmem:v31+s4+$0x0], $0xffff;
	[tilespmem:v33+s22+$0x0] =	vst.idx.msk $0xffff, v18;
	v33 =	vadd.s32 v32, v20;
	v28 =	vmov v22  }
0xf5: {  	v10 =	vadd.s32 $0x2, v32;
	v23 =	vadd.s32 v4, v12;
	v32 =	vmovc v4;
	v27 =	vld.idx.msk [tilespmem:v6+s17+$0x0], $0xffff;
	v6 =	vmov v31  }
0xf6: {  	s25 =	sadd.s32 $0x40, s25;
	v22 =	vor.u32 v10, v34;
	v31 =	vadd.s32 v10, v36;
	v18 =	vld.idx.msk [tilespmem:v5+s4+$0x0], $0xffff;
	[tilespmem:v38+s22+$0x0] =	vst.idx.msk $0xffff, v29  }
0xf7: {  	v38 =	vmov v19;
	v40 =	vmov v13  }
0xf8: {  	v26 =	vmovc v15;
	v29 =	vmovc v20;
	v39 =	vmov v14;
	v4 =	vmov v32;
	v20 =	vmov v28  }
.LBB2_15:
0xf9: {  	_ = 	snop  }
0xfa: {  	v13 =	vmov s24  }
0xfb: {  	v13 =	vmul.u32 $0x3, v13;
	_ =	sdelay $0x1  }
0xfc: {  	[tilespmem:v37+s22+$0x0] =	vst.idx.msk @p1 $0xffff, v35;
	v14 =	vld.idx.msk [tilespmem:v17+s4+$0x0], $0xffff;
	v13 =	vbroadcast v13, $0x0  }
0xfd: {  	v15 =	vld.idx.msk @p0 [tilespmem:v40+s17+$0x0], $0xffff;
	[tilespmem:v24+s22+$0x0] =	vst.idx.msk @p0 $0xffff, v25  }
0xfe: {  	[tilespmem:v33+s22+$0x0] =	vst.idx.msk @p0 $0xffff, v30;
	v19 =	vld.idx.msk [tilespmem:v20+s4+$0x0], $0xffff;
	v50 =	vadd.s32 v4, v13  }
0xff: {  	[tilespmem:v23+s22+$0x0] =	vst.idx.msk $0xffff, v21;
	v11 =	vadd.s32 @p0 v11, v29;
	v51 =	vadd.s32 $0x1, v4;
	v21 =	vld.idx.msk @p0 [tilespmem:v39+s16+$0x0], $0xffff  }
0x100: {  	v52 =	vld.idx.msk [tilespmem:v6+s16+$0x0], $0xffff;
	v53 =	vadd.s32 v51, v12;
	[tilespmem:v7+s22+$0x0] =	vst.idx.msk $0xffff, v18  }
0x101: {  	v23 =	vld.idx.msk @p0 [tilespmem:v26+s17+$0x0], $0xffff;
	[tilespmem:v16+s22+$0x0] =	vst.idx.msk $0xffff, v14  }
0x102: {  	v55 =	vor.u32 v51, v8;
	v54 =	vld.idx.msk [tilespmem:v5+s16+$0x0], $0xffff;
	[tilespmem:v22+s22+$0x0] =	vst.idx.msk @p0 $0xffff, v15  }
0x103: {  	v56 =	vadd.s32 v51, v9;
	v16 =	vld.idx.msk [tilespmem:v17+s16+$0x0], $0xffff;
	[tilespmem:v50+s22+$0x0] =	vst.idx.msk $0xffff, v19  }
0x104: {  	v57 =	vadd.s32 v51, v13;
	[tilespmem:v11+s22+$0x0] =	vst.idx.msk @p0 $0xffff, v21;
	v19 =	vld.idx.msk [tilespmem:v20+s16+$0x0], $0xffff  }
0x105: {  	v4 =	vadd.s32 $0x2, v4;
	v21 =	vadd.s32 @p0 v10, v38;
	[tilespmem:v53+s22+$0x0] =	vst.idx.msk $0xffff, v52;
	v15 =	vld.idx.msk @p0 [tilespmem:v39+s17+$0x0], $0xffff  }
0x106: {  	[tilespmem:v31+s22+$0x0] =	vst.idx.msk @p0 $0xffff, v27;
	v10 =	vadd.s32 @p0 v10, v29;
	v59 =	vadd.s32 v4, v12;
	v58 =	vld.idx.msk [tilespmem:v6+s17+$0x0], $0xffff  }
0x107: {  	v7 =	vpsel p0, v10, v0;
	[tilespmem:v55+s22+$0x0] =	vst.idx.msk $0xffff, v54  }
0x108: {  	v60 =	vor.u32 v4, v8;
	v5 =	vld.idx.msk [tilespmem:v5+s17+$0x0], $0xffff;
	[tilespmem:v56+s22+$0x0] =	vst.idx.msk $0xffff, v16  }
0x109: {  	v61 =	vadd.s32 v4, v9;
	v62 =	vld.idx.msk [tilespmem:v17+s17+$0x0], $0xffff;
	[tilespmem:v57+s22+$0x0] =	vst.idx.msk $0xffff, v19  }
0x10a: {  	v4 =	vadd.s32 v4, v13;
	[tilespmem:v21+s22+$0x0] =	vst.idx.msk @p0 $0xffff, v23;
	v63 =	vld.idx.msk [tilespmem:v20+s17+$0x0], $0xffff  }
0x10b: {  	v11 =	vpsel p0, v15, v0;
	[tilespmem:v59+s22+$0x0] =	vst.idx.msk $0xffff, v58  }
0x10c: {  	[tilespmem:v7+s22+$0x0] =	vst.idx.msk @p0 $0xffff, v11  }
0x10d: {  	[tilespmem:v60+s22+$0x0] =	vst.idx.msk $0xffff, v5  }
0x10e: {  	s23 =	sadd.s32 $0x1, s23;
	[tilespmem:v61+s22+$0x0] =	vst.idx.msk $0xffff, v62  }
0x10f: {  	p0 =	sne.s32 s23, s11;
	[tilespmem:v4+s22+$0x0] =	vst.idx.msk $0xffff, v63  }
0x110: {  	[hbm4b:s10+s4] =	stream.linear.scatter [tilespmem:s22], [sflag:$0x1], $0x600, $0x38;
	[tilespmem:$0x2940] =	vst v63  }
.Ltmp7:
0x111: {  	_ = 	snop;
	(pc) =	sbr.rel @p0 .LBB2_1-.Ltmp7, $4  }
.Ltmp8:
0x112: {  	_ = 	snop;
	(pc) =	sbr.rel @!p0 .LBB2_16-.Ltmp8, $4  }
0x113: {  	_ =	swait.ge [sflag:s15], $0x600  }
0x114: {  	[sflag:s15] =	ssyncset.done $0x0  }
0x115: {  	[sflag:s15] =	ssyncadd.s32 $0xFFFFFA00  }
0x116: {  	_ = 	snop  }
.LBB2_8:
.Ltmp9:
0x117: {  	(pc) =	sbr.rel .LBB2_15-.Ltmp9, $2  }
0x118: {  	_ =	sdelay $0x2  }
0x119: {  	v17 =	vmov v26  }
.LBB2_10:
.Ltmp10:
0x11a: {  	(pc) =	sbr.rel .LBB2_15-.Ltmp10, $3  }
0x11b: {  	_ =	sdelay $0x1  }
0x11c: {  	v38 =	vmovc v9;
	v40 =	vmovc v5;
	v39 =	vmov v20;
	v17 =	vmov v15;
	v8 =	vmov v34  }
0x11d: {  	v12 =	vmovc v36;
	v5 =	vmovc v13;
	v9 =	vmov v19;
	v6 =	vmov v32;
	s24 =	simm.s32 $0x70;
	v20 =	vmov v14  }
.LBB2_12:
.Ltmp11:
0x11e: {  	(pc) =	sbr.rel .LBB2_15-.Ltmp11, $3  }
0x11f: {  	_ =	sdelay $0x1  }
0x120: {  	v38 =	vmov v19  }
0x121: {  	v40 =	vmovc v13;
	v26 =	vmovc v15;
	v29 =	vmov v20;
	v39 =	vmov v14;
	v20 =	vmov v28  }
.LBB2_16:
0x122: {  	_ =	sfence.sel $0x180000  }
0x123: {  	[bflag:$0x0] =	sbarrier.arrive $0xFFFF  }
0x124: {  	_ =	strace $0x90000047  }
0x125: {  	s0 =	stileid.u32;
	[bflag:$0x2] =	sbarrier.arrive $0xFFFF  }
0x126: {  	p0 =	sne.s32 s0, $0x0;
	s0 =	rddreg [dreg:$0x3]  }
0x127: {  	s0 =	sadd.s32 @!p0 $0x100000, s0  }
0x128: {  	[sflag:s0] =	ssyncadd.tile.s32 @!p0 $0x1;
	_ =	shalt  }
.Lfunc_end2:
_tile_overlayer_lowered:
.L_overlay_start_2:
0x129: {  	(tag) =	ssettag $0x2  }
0x12a: {  	s0 =	rddreg [dreg:$0x0];
	s2 =	stileid.u32  }
0x12b: {  	s1 =	rddreg [dreg:$0x1];
	p0 =	sne.s32 s2, $0x0  }
0x12c: {  	s3 =	rddreg [dreg:$0x2];
	[bflag:$0x3] =	sbarrier.arrive $0xFFFF;
	s2 =	simm.s32 @!p0 $0x1C01  }
0x12d: {  	[timem:s3], [sflag:s2] =	dma.local @!p0 [hbm:s0], s1  }
0x12e: {  	s0 =	simm.s32 @!p0 $0x1  }
0x12f: {  	_ =	swait.ge @!p0 [sflag:s0], s1  }
0x130: {  	s1 =	ssub.s32 @!p0 $0x0, s1;
	[sflag:s0] =	ssyncset.done @!p0 $0x0  }
0x131: {  	[sflag:s0] =	ssyncadd.s32 @!p0 s1  }
0x132: {  	[bflag:$0x3] =	sbarrier.arrive $0xFFFF  }
0x133: {  	_ =	shalt  }

</sc_bundles>
